<compile_context>
chip_gen: v7x
topology: tpu7x:2x2x1
jax: 0.10.2.dev20260603
libtpu: 0.0.44.dev20260713+nightly
codegen_flags: <defaults>
</compile_context>

<pallas_src>
import functools

import jax
import jax.numpy as jnp
from jax import lax
from jax.experimental import pallas as pl
from jax.experimental.pallas import tpu as pltpu
from jax.experimental.pallas import tpu_sc as plsc

N = 10000
E = 320000
D = 128
R = 8
NB = 4

NC = 2
NS = 16
NW = NC * NS

K = 128
EP = 327680
EPW = EP // NW
PH = 2
CPP = EPW // (PH * K)
ZB = 640
ZL = N - (NS - 1) * ZB
NDUMMY = N + 640


BN = 1000


def _prep_body(x_ref, wc_ref, w_ref, lw_ref, bias_ref, y2_ref, hloop_ref):
    xb = x_ref[...]
    w = w_ref[...]
    cols = []
    for r in range(R):
        wr = wc_ref[r, 0] * w[0]
        for b in range(1, NB):
            wr = wr + wc_ref[r, b] * w[b]
        cols.append(wr)
    cols.append(lw_ref[...])
    wide = jnp.concatenate(cols, axis=1)
    out = jnp.dot(
        xb.astype(jnp.bfloat16),
        wide.astype(jnp.bfloat16),
        preferred_element_type=jnp.float32,
    )
    for r in range(R):
        y2_ref[:, r, :] = out[:, r * D:(r + 1) * D]
    hloop_ref[...] = out[:, R * D:] + bias_ref[...]


def _prep(x, w_comp, weight, loop_weight, h_bias2d):
    grid = N // BN
    return pl.pallas_call(
        _prep_body,
        grid=(grid,),
        in_specs=[
            pl.BlockSpec((BN, D), lambda i: (i, 0)),
            pl.BlockSpec(memory_space=pltpu.SMEM),
            pl.BlockSpec((NB, D, D), lambda i: (0, 0, 0)),
            pl.BlockSpec((D, D), lambda i: (0, 0)),
            pl.BlockSpec((1, D), lambda i: (0, 0)),
        ],
        out_specs=[
            pl.BlockSpec((BN, R, D), lambda i: (i, 0, 0)),
            pl.BlockSpec((BN, D), lambda i: (i, 0)),
        ],
        out_shape=[
            jax.ShapeDtypeStruct((N, R, D), jnp.float32),
            jax.ShapeDtypeStruct((N, D), jnp.float32),
        ],
    )(x, w_comp, weight, loop_weight, h_bias2d)


def _gidx_body(ei_ref, et_ref, gidx_ref, dstp_ref):
    pad = (EP - E) // D
    flat = lax.broadcasted_iota(jnp.int32, (pad, D), 0) * D + lax.broadcasted_iota(
        jnp.int32, (pad, D), 1
    )
    g = ei_ref[0] * R + et_ref[...]
    gidx_ref[...] = jnp.concatenate([g, flat % (N * R)], axis=0).reshape(
        NW, PH, CPP, K
    )
    dstp_ref[...] = jnp.concatenate([ei_ref[1], N + flat % 640], axis=0).reshape(
        NW, PH, CPP, K
    )


def _gidx(ei3d, et2d):
    return pl.pallas_call(
        _gidx_body,
        out_shape=[
            jax.ShapeDtypeStruct((NW, PH, CPP, K), jnp.int32),
            jax.ShapeDtypeStruct((NW, PH, CPP, K), jnp.int32),
        ],
    )(ei3d, et2d)


def _sc_body(y2_hbm, gidx_hbm, dst_hbm, zeros_hbm, out_hbm,
             gidx_v, dst_v, rows0, rows1, h_sh, sem0, sem1):
    cid = lax.axis_index("c")
    sid = lax.axis_index("s")
    wid = sid * NC + cid
    rbase = sid * ZB

    pltpu.async_copy(gidx_hbm.at[wid, 0], gidx_v, sem0)
    pltpu.async_copy(dst_hbm.at[wid, 0], dst_v, sem1)

    @pl.when(sid < NS - 1)
    def _():
        pltpu.sync_copy(zeros_hbm, h_sh.at[pl.ds(rbase, ZB)])

    @pl.when(sid == NS - 1)
    def _():
        pltpu.sync_copy(zeros_hbm.at[pl.ds(0, ZL)], h_sh.at[pl.ds(rbase, ZL)])

    plsc.subcore_barrier()

    bufs = ((rows0, sem0), (rows1, sem1))
    for h in range(PH):
        if h == 0:
            pltpu.make_async_copy(gidx_hbm.at[wid, 0], gidx_v, sem0).wait()
            pltpu.make_async_copy(dst_hbm.at[wid, 0], dst_v, sem1).wait()
        else:
            pltpu.sync_copy(gidx_hbm.at[wid, h], gidx_v)
            pltpu.sync_copy(dst_hbm.at[wid, h], dst_v)
        for b in range(2):
            pltpu.async_copy(y2_hbm.at[gidx_v.at[b]], bufs[b][0], bufs[b][1])

        def pair(i, carry):
            for b in range(2):
                j = 2 * i + b
                buf, sem = bufs[b]
                pltpu.make_async_copy(y2_hbm.at[gidx_v.at[j]], buf, sem).wait()
                pltpu.sync_copy(buf, h_sh.at[dst_v.at[j]], add=True)

                @pl.when(j + 2 < CPP)
                def _():
                    pltpu.async_copy(y2_hbm.at[gidx_v.at[j + 2]], buf, sem)

            return carry

        lax.fori_loop(0, CPP // 2, pair, 0)
    plsc.subcore_barrier()

    @pl.when(sid < NS - 1)
    def _():
        pltpu.sync_copy(h_sh.at[pl.ds(rbase, ZB)], out_hbm.at[cid].at[pl.ds(rbase, ZB)])

    @pl.when(sid == NS - 1)
    def _():
        pltpu.sync_copy(h_sh.at[pl.ds(rbase, ZL)], out_hbm.at[cid].at[pl.ds(rbase, ZL)])


@functools.cache
def _sc_scatter_kernel():
    return pl.kernel(
        _sc_body,
        out_type=jax.ShapeDtypeStruct((NC, N, D), jnp.float32),
        mesh=plsc.VectorSubcoreMesh(
            core_axis_name="c", subcore_axis_name="s", num_cores=NC, num_subcores=NS
        ),
        scratch_types=[
            pltpu.VMEM((CPP, K), jnp.int32),
            pltpu.VMEM((CPP, K), jnp.int32),
            pltpu.VMEM((K, D), jnp.float32),
            pltpu.VMEM((K, D), jnp.float32),
            pltpu.VMEM_SHARED((NDUMMY, D), jnp.float32),
            pltpu.SemaphoreType.DMA,
            pltpu.SemaphoreType.DMA,
        ],
    )


FBN = 2000


def _final_body(p_ref, hl_ref, out_ref):
    out_ref[...] = p_ref[0] + p_ref[1] + hl_ref[...]


def _final(partial, h_loop):
    return pl.pallas_call(
        _final_body,
        grid=(N // FBN,),
        in_specs=[
            pl.BlockSpec((NC, FBN, D), lambda i: (0, i, 0)),
            pl.BlockSpec((FBN, D), lambda i: (i, 0)),
        ],
        out_specs=pl.BlockSpec((FBN, D), lambda i: (i, 0)),
        out_shape=jax.ShapeDtypeStruct((N, D), jnp.float32),
    )(partial, h_loop)


def kernel(x, edge_index, etypes, weight, w_comp, loop_weight, h_bias):
    y2, h_loop = _prep(x, w_comp, weight, loop_weight, h_bias.reshape(1, D))
    gidx, dstp = _gidx(
        edge_index.reshape(2, E // D, D),
        etypes.reshape(E // D, D),
    )
    partial = _sc_scatter_kernel()(
        y2.reshape(N * R, D),
        gidx,
        dstp,
        jnp.zeros((ZB, D), jnp.float32),
    )
    return _final(partial, h_loop)

# --- scband reference (transcript-rebuilt; emitter-appended) ---
"""Pipeline reference for scband-rel-graph-conv-5909874999729 (READ-ONLY COPY).

The authoritative reference and input builder live on the scoring server;
editing this copy changes nothing except your own understanding.
"""

import jax, jax.numpy as jnp
import numpy as np

N = 10000
E = 320000
D_IN = 128
D_OUT = 128
R = 8  # num_rels
B = 4  # num_bases


def setup_inputs(seed: int = 0) -> dict:
    key = jax.random.key(seed)
    ks = jax.random.split(key, 7)
    x = jax.random.normal(ks[0], (N, D_IN), dtype=jnp.float32)
    edge_index = jax.random.randint(ks[1], (2, E), 0, N, dtype=jnp.int32)
    etypes = jax.random.randint(ks[2], (E,), 0, R, dtype=jnp.int32)
    # parameters (xavier-uniform-like init per nn.init.xavier_uniform_ with relu gain)
    gain = float(np.sqrt(2.0))
    bw = gain * np.sqrt(6.0 / (D_IN + D_OUT))
    weight = jax.random.uniform(ks[3], (B, D_IN, D_OUT), dtype=jnp.float32, minval=-bw, maxval=bw)
    bc = gain * np.sqrt(6.0 / (R + B))
    w_comp = jax.random.uniform(ks[4], (R, B), dtype=jnp.float32, minval=-bc, maxval=bc)
    loop_weight = jax.random.uniform(ks[5], (D_IN, D_OUT), dtype=jnp.float32, minval=-bw, maxval=bw)
    h_bias = jnp.zeros((D_OUT,), dtype=jnp.float32)
    return {
        "x": x,
        "edge_index": edge_index,
        "etypes": etypes,
        "weight": weight,
        "w_comp": w_comp,
        "loop_weight": loop_weight,
        "h_bias": h_bias,
    }


def reference(x, edge_index, etypes, weight, w_comp, loop_weight, h_bias):
    # basis decomposition: W_r = sum_b a_{rb} V_b
    W = jnp.matmul(w_comp, weight.reshape(B, D_IN * D_OUT)).reshape(R, D_IN, D_OUT)
    src = edge_index[0]
    dst = edge_index[1]
    # msg_e = x[src_e] @ W[etype_e]; h[i] = sum_{e: dst_e = i} msg_e
    # Equivalent memory-efficient form: aggregate x[src] per (dst, etype) bucket,
    # then apply per-relation weights once.
    gathered = jnp.take(x, src, axis=0)  # [E, D_IN]
    seg = dst * R + etypes  # combined (dst, relation) segment id
    agg = jax.ops.segment_sum(gathered, seg, num_segments=N * R)  # [N*R, D_IN]
    agg = agg.reshape(N, R, D_IN)
    node_repr = jnp.einsum("nri,rio->no", agg, W)  # [N, D_OUT]
    # bias
    node_repr = node_repr + h_bias
    # self loop (dst nodes == all nodes for homogeneous graph)
    node_repr = node_repr + jnp.matmul(x, loop_weight)
    # activation=None, dropout=0.0 -> identity
    return node_repr

if __name__ == "__main__":
    import jax
    _d = setup_inputs()
    print(jax.jit(kernel)(*tuple(_d.values())))

</pallas_src>

<mosaic_0001>
#map = affine_map<(d0, d1) -> (0, 0)>
#map1 = affine_map<(d0, d1) -> (0, 0, 0, 0)>
#map2 = affine_map<(d0, d1) -> (0, 0, 0)>
module attributes {stable_mosaic.version = 14 : i64} {
  func.func @_sc_body(%arg0: i32, %arg1: i32, %arg2: memref<80000x128xf32, #tpu.memory_space<hbm>>, %arg3: memref<32x2x40x128xi32, #tpu.memory_space<hbm>>, %arg4: memref<32x2x40x128xi32, #tpu.memory_space<hbm>>, %arg5: memref<640x128xf32, #tpu.memory_space<hbm>>, %arg6: memref<2x10000x128xf32, #tpu.memory_space<hbm>>, %arg7: memref<40x128xi32, #tpu.memory_space<vmem>>, %arg8: memref<40x128xi32, #tpu.memory_space<vmem>>, %arg9: memref<128x128xf32, #tpu.memory_space<vmem>>, %arg10: memref<128x128xf32, #tpu.memory_space<vmem>>, %arg11: memref<10640x128xf32, #tpu.memory_space<vmem_shared>>, %arg12: memref<!tpu.dma_semaphore, #tpu.memory_space<semaphore_mem>>, %arg13: memref<!tpu.dma_semaphore, #tpu.memory_space<semaphore_mem>>) attributes {dimension_semantics = [#tpu.dimension_semantics<core_parallel>, #tpu.dimension_semantics<subcore_parallel>], iteration_bounds = array<i64: 2, 16>, scalar_prefetch = 0 : i64, scratch_operands = 7 : i64, tpu.core_type = #tpu.core_type<sc_vector_subcore>, window_params = [{transform_indices = #map}, {transform_indices = #map1}, {transform_indices = #map1}, {transform_indices = #map}, {transform_indices = #map2}]} {
    %mul3A = arith.constant 2 : i32
    %mul3A_0 = arith.muli %arg1, %mul3A : i32
    %add3A = arith.addi %mul3A_0, %arg0 : i32
    %mul3A_1 = arith.constant 640 : i32
    %mul3A_2 = arith.muli %arg1, %mul3A_1 : i32
    %dma_start3A = arith.constant 0 : i32
    %dma_start3A_3 = arith.constant 0 : i32
    %dma_start3A_4 = arith.constant 0 : i32
    %dma_start3A_5 = tpu.memref_slice %arg3[%add3A, %dma_start3A, %dma_start3A_3, %dma_start3A_4] : memref<32x2x40x128xi32, #tpu.memory_space<hbm>> -> memref<1x1x40x128xi32, #tpu.memory_space<hbm>>
    %dma_start3A_6 = tpu.memref_squeeze %dma_start3A_5 : memref<1x1x40x128xi32, #tpu.memory_space<hbm>> -> memref<40x128xi32, #tpu.memory_space<hbm>>
    %dma_start3A_7 = arith.constant 0 : i32
    %dma_start3A_8 = arith.constant 0 : i32
    %dma_start3A_9 = tpu.memref_slice %arg3[%add3A, %dma_start3A, %dma_start3A_7, %dma_start3A_8] : memref<32x2x40x128xi32, #tpu.memory_space<hbm>> -> memref<1x1x40x128xi32, #tpu.memory_space<hbm>>
    %dma_start3A_10 = tpu.memref_squeeze %dma_start3A_9 : memref<1x1x40x128xi32, #tpu.memory_space<hbm>> -> memref<40x128xi32, #tpu.memory_space<hbm>>
    tpu.enqueue_dma source(%dma_start3A_10 : memref<40x128xi32, #tpu.memory_space<hbm>>) target(%arg7 : memref<40x128xi32, #tpu.memory_space<vmem>>) target_semaphore(%arg12 : memref<!tpu.dma_semaphore, #tpu.memory_space<semaphore_mem>>)
    %dma_start3A_11 = arith.constant 0 : i32
    %dma_start3A_12 = arith.constant 0 : i32
    %dma_start3A_13 = arith.constant 0 : i32
    %dma_start3A_14 = tpu.memref_slice %arg4[%add3A, %dma_start3A_11, %dma_start3A_12, %dma_start3A_13] : memref<32x2x40x128xi32, #tpu.memory_space<hbm>> -> memref<1x1x40x128xi32, #tpu.memory_space<hbm>>
    %dma_start3A_15 = tpu.memref_squeeze %dma_start3A_14 : memref<1x1x40x128xi32, #tpu.memory_space<hbm>> -> memref<40x128xi32, #tpu.memory_space<hbm>>
    %dma_start3A_16 = arith.constant 0 : i32
    %dma_start3A_17 = arith.constant 0 : i32
    %dma_start3A_18 = tpu.memref_slice %arg4[%add3A, %dma_start3A_11, %dma_start3A_16, %dma_start3A_17] : memref<32x2x40x128xi32, #tpu.memory_space<hbm>> -> memref<1x1x40x128xi32, #tpu.memory_space<hbm>>
    %dma_start3A_19 = tpu.memref_squeeze %dma_start3A_18 : memref<1x1x40x128xi32, #tpu.memory_space<hbm>> -> memref<40x128xi32, #tpu.memory_space<hbm>>
    tpu.enqueue_dma source(%dma_start3A_19 : memref<40x128xi32, #tpu.memory_space<hbm>>) target(%arg8 : memref<40x128xi32, #tpu.memory_space<vmem>>) target_semaphore(%arg13 : memref<!tpu.dma_semaphore, #tpu.memory_space<semaphore_mem>>)
    %lt3A = arith.constant 15 : i32
    %lt3A_20 = arith.cmpi slt, %arg1, %lt3A : i32
    %convert_element_type3A = arith.extui %lt3A_20 : i1 to i32
    %cond3A = arith.constant 0 : i32
    %cond3A_21 = arith.cmpi ne, %convert_element_type3A, %cond3A : i32
    scf.if %cond3A_21 {
      "tpu.region"() ({
        %run_scoped3A_94 = tpu.sem_alloc : memref<!tpu.dma_semaphore, #tpu.memory_space<semaphore_mem>>
        %dma_start3A_95 = arith.constant 0 : i32
        %dma_start3A_96 = tpu.memref_slice %arg11[%mul3A_2, %dma_start3A_95] : memref<10640x128xf32, #tpu.memory_space<vmem_shared>> -> memref<640x128xf32, #tpu.memory_space<vmem_shared>>
        tpu.enqueue_dma source(%arg5 : memref<640x128xf32, #tpu.memory_space<hbm>>) target(%dma_start3A_96 : memref<640x128xf32, #tpu.memory_space<vmem_shared>>) target_semaphore(%run_scoped3A_94 : memref<!tpu.dma_semaphore, #tpu.memory_space<semaphore_mem>>)
        %dma_wait3A_97 = arith.constant 0 : i32
        %dma_wait3A_98 = tpu.memref_slice %arg11[%mul3A_2, %dma_wait3A_97] : memref<10640x128xf32, #tpu.memory_space<vmem_shared>> -> memref<640x128xf32, #tpu.memory_space<vmem_shared>>
        tpu.wait_dma2 semaphore(%run_scoped3A_94 : memref<!tpu.dma_semaphore, #tpu.memory_space<semaphore_mem>>) src(%arg5 : memref<640x128xf32, #tpu.memory_space<hbm>>) dst(%dma_wait3A_98 : memref<640x128xf32, #tpu.memory_space<vmem_shared>>)
        tpu.yield
      }) : () -> ()
    } else {
    }
    %eq3A = arith.constant 15 : i32
    %eq3A_22 = arith.cmpi eq, %arg1, %eq3A : i32
    %convert_element_type3A_23 = arith.extui %eq3A_22 : i1 to i32
    %cond3A_24 = arith.constant 0 : i32
    %cond3A_25 = arith.cmpi ne, %convert_element_type3A_23, %cond3A_24 : i32
    scf.if %cond3A_25 {
      "tpu.region"() ({
        %run_scoped3A_94 = tpu.sem_alloc : memref<!tpu.dma_semaphore, #tpu.memory_space<semaphore_mem>>
        %dma_start3A_95 = arith.constant 0 : i32
        %dma_start3A_96 = tpu.memref_slice %arg11[%mul3A_2, %dma_start3A_95] : memref<10640x128xf32, #tpu.memory_space<vmem_shared>> -> memref<400x128xf32, #tpu.memory_space<vmem_shared>>
        %dma_start3A_97 = arith.constant 0 : i32
        %dma_start3A_98 = arith.constant 0 : i32
        %dma_start3A_99 = tpu.memref_slice %arg5[%dma_start3A_97, %dma_start3A_98] : memref<640x128xf32, #tpu.memory_space<hbm>> -> memref<400x128xf32, #tpu.memory_space<hbm>>
        tpu.enqueue_dma source(%dma_start3A_99 : memref<400x128xf32, #tpu.memory_space<hbm>>) target(%dma_start3A_96 : memref<400x128xf32, #tpu.memory_space<vmem_shared>>) target_semaphore(%run_scoped3A_94 : memref<!tpu.dma_semaphore, #tpu.memory_space<semaphore_mem>>)
        %dma_wait3A_100 = arith.constant 0 : i32
        %dma_wait3A_101 = tpu.memref_slice %arg11[%mul3A_2, %dma_wait3A_100] : memref<10640x128xf32, #tpu.memory_space<vmem_shared>> -> memref<400x128xf32, #tpu.memory_space<vmem_shared>>
        %dma_wait3A_102 = arith.constant 0 : i32
        %dma_wait3A_103 = arith.constant 0 : i32
        %dma_wait3A_104 = tpu.memref_slice %arg5[%dma_wait3A_102, %dma_wait3A_103] : memref<640x128xf32, #tpu.memory_space<hbm>> -> memref<400x128xf32, #tpu.memory_space<hbm>>
        tpu.wait_dma2 semaphore(%run_scoped3A_94 : memref<!tpu.dma_semaphore, #tpu.memory_space<semaphore_mem>>) src(%dma_wait3A_104 : memref<400x128xf32, #tpu.memory_space<hbm>>) dst(%dma_wait3A_101 : memref<400x128xf32, #tpu.memory_space<vmem_shared>>)
        tpu.yield
      }) : () -> ()
    } else {
    }
    %barrier3A = arith.constant 0 : index
    tpu.barrier barrier_id(%barrier3A)
    %dma_wait3A = arith.constant 0 : i32
    %dma_wait3A_26 = arith.constant 0 : i32
    %dma_wait3A_27 = arith.constant 0 : i32
    %dma_wait3A_28 = tpu.memref_slice %arg3[%add3A, %dma_wait3A, %dma_wait3A_26, %dma_wait3A_27] : memref<32x2x40x128xi32, #tpu.memory_space<hbm>> -> memref<1x1x40x128xi32, #tpu.memory_space<hbm>>
    %dma_wait3A_29 = tpu.memref_squeeze %dma_wait3A_28 : memref<1x1x40x128xi32, #tpu.memory_space<hbm>> -> memref<40x128xi32, #tpu.memory_space<hbm>>
    %dma_wait3A_30 = arith.constant 0 : i32
    %dma_wait3A_31 = arith.constant 0 : i32
    %dma_wait3A_32 = tpu.memref_slice %arg3[%add3A, %dma_wait3A, %dma_wait3A_30, %dma_wait3A_31] : memref<32x2x40x128xi32, #tpu.memory_space<hbm>> -> memref<1x1x40x128xi32, #tpu.memory_space<hbm>>
    %dma_wait3A_33 = tpu.memref_squeeze %dma_wait3A_32 : memref<1x1x40x128xi32, #tpu.memory_space<hbm>> -> memref<40x128xi32, #tpu.memory_space<hbm>>
    tpu.wait_dma2 semaphore(%arg12 : memref<!tpu.dma_semaphore, #tpu.memory_space<semaphore_mem>>) src(%dma_wait3A_33 : memref<40x128xi32, #tpu.memory_space<hbm>>) dst(%arg7 : memref<40x128xi32, #tpu.memory_space<vmem>>)
    %dma_wait3A_34 = arith.constant 0 : i32
    %dma_wait3A_35 = arith.constant 0 : i32
    %dma_wait3A_36 = arith.constant 0 : i32
    %dma_wait3A_37 = tpu.memref_slice %arg4[%add3A, %dma_wait3A_34, %dma_wait3A_35, %dma_wait3A_36] : memref<32x2x40x128xi32, #tpu.memory_space<hbm>> -> memref<1x1x40x128xi32, #tpu.memory_space<hbm>>
    %dma_wait3A_38 = tpu.memref_squeeze %dma_wait3A_37 : memref<1x1x40x128xi32, #tpu.memory_space<hbm>> -> memref<40x128xi32, #tpu.memory_space<hbm>>
    %dma_wait3A_39 = arith.constant 0 : i32
    %dma_wait3A_40 = arith.constant 0 : i32
    %dma_wait3A_41 = tpu.memref_slice %arg4[%add3A, %dma_wait3A_34, %dma_wait3A_39, %dma_wait3A_40] : memref<32x2x40x128xi32, #tpu.memory_space<hbm>> -> memref<1x1x40x128xi32, #tpu.memory_space<hbm>>
    %dma_wait3A_42 = tpu.memref_squeeze %dma_wait3A_41 : memref<1x1x40x128xi32, #tpu.memory_space<hbm>> -> memref<40x128xi32, #tpu.memory_space<hbm>>
    tpu.wait_dma2 semaphore(%arg13 : memref<!tpu.dma_semaphore, #tpu.memory_space<semaphore_mem>>) src(%dma_wait3A_42 : memref<40x128xi32, #tpu.memory_space<hbm>>) dst(%arg8 : memref<40x128xi32, #tpu.memory_space<vmem>>)
    %dma_start3A_43 = arith.constant 0 : i32
    %dma_start3A_44 = arith.constant 0 : i32
    %dma_start3A_45 = tpu.memref_slice %arg7[%dma_start3A_43, %dma_start3A_44] : memref<40x128xi32, #tpu.memory_space<vmem>> -> memref<1x128xi32, #tpu.memory_space<vmem>>
    %dma_start3A_46 = tpu.memref_squeeze %dma_start3A_45 : memref<1x128xi32, #tpu.memory_space<vmem>> -> memref<128xi32, #tpu.memory_space<vmem>>
    %dma_start3A_47 = arith.constant 0 : i32
    %dma_start3A_48 = arith.constant 0 : i32
    %dma_start3A_49 = tpu.memref_slice %arg2[%dma_start3A_47, %dma_start3A_48] : memref<80000x128xf32, #tpu.memory_space<hbm>> -> memref<80000x128xf32, #tpu.memory_space<hbm>>
    tpu.enqueue_indirect_dma source(%dma_start3A_49 : memref<80000x128xf32, #tpu.memory_space<hbm>>) target(%arg9 : memref<128x128xf32, #tpu.memory_space<vmem>>) offsets(%dma_start3A_46 : memref<128xi32, #tpu.memory_space<vmem>>) semaphore(%arg12 : memref<!tpu.dma_semaphore, #tpu.memory_space<semaphore_mem>>)
    %dma_start3A_50 = arith.constant 1 : i32
    %dma_start3A_51 = arith.constant 0 : i32
    %dma_start3A_52 = tpu.memref_slice %arg7[%dma_start3A_50, %dma_start3A_51] : memref<40x128xi32, #tpu.memory_space<vmem>> -> memref<1x128xi32, #tpu.memory_space<vmem>>
    %dma_start3A_53 = tpu.memref_squeeze %dma_start3A_52 : memref<1x128xi32, #tpu.memory_space<vmem>> -> memref<128xi32, #tpu.memory_space<vmem>>
    %dma_start3A_54 = arith.constant 0 : i32
    %dma_start3A_55 = arith.constant 0 : i32
    %dma_start3A_56 = tpu.memref_slice %arg2[%dma_start3A_54, %dma_start3A_55] : memref<80000x128xf32, #tpu.memory_space<hbm>> -> memref<80000x128xf32, #tpu.memory_space<hbm>>
    tpu.enqueue_indirect_dma source(%dma_start3A_56 : memref<80000x128xf32, #tpu.memory_space<hbm>>) target(%arg10 : memref<128x128xf32, #tpu.memory_space<vmem>>) offsets(%dma_start3A_53 : memref<128xi32, #tpu.memory_space<vmem>>) semaphore(%arg13 : memref<!tpu.dma_semaphore, #tpu.memory_space<semaphore_mem>>)
    %scan3A = arith.constant 0 : i32
    %scan3A_57 = arith.constant 0 : i32
    %scan3A_58 = arith.constant 20 : i32
    %scan3A_59 = arith.addi %scan3A_57, %scan3A_58 : i32
    %scan3A_60 = arith.constant 1 : i32
    scf.for %scan3A_94 = %scan3A_57 to %scan3A_59 step %scan3A_60  : i32 {
      %mul3A_95 = arith.constant 2 : i32
      %mul3A_96 = arith.muli %mul3A_95, %scan3A_94 : i32
      %add3A_97 = arith.constant 0 : i32
      %add3A_98 = arith.addi %mul3A_96, %add3A_97 : i32
      %dma_wait3A_99 = arith.constant 0 : i32
      %dma_wait3A_100 = tpu.memref_slice %arg7[%add3A_98, %dma_wait3A_99] : memref<40x128xi32, #tpu.memory_space<vmem>> -> memref<1x128xi32, #tpu.memory_space<vmem>>
      %dma_wait3A_101 = tpu.memref_squeeze %dma_wait3A_100 : memref<1x128xi32, #tpu.memory_space<vmem>> -> memref<128xi32, #tpu.memory_space<vmem>>
      %dma_wait3A_102 = arith.constant 0 : i32
      %dma_wait3A_103 = arith.constant 0 : i32
      %dma_wait3A_104 = tpu.memref_slice %arg2[%dma_wait3A_102, %dma_wait3A_103] : memref<80000x128xf32, #tpu.memory_space<hbm>> -> memref<80000x128xf32, #tpu.memory_space<hbm>>
      tpu.wait_indirect_dma semaphore(%arg12 : memref<!tpu.dma_semaphore, #tpu.memory_space<semaphore_mem>>) src(%dma_wait3A_104 : memref<80000x128xf32, #tpu.memory_space<hbm>>) dst(%arg9 : memref<128x128xf32, #tpu.memory_space<vmem>>)
      "tpu.region"() ({
        %run_scoped3A_129 = tpu.sem_alloc : memref<!tpu.dma_semaphore, #tpu.memory_space<semaphore_mem>>
        %dma_start3A_130 = arith.constant 0 : i32
        %dma_start3A_131 = tpu.memref_slice %arg8[%add3A_98, %dma_start3A_130] : memref<40x128xi32, #tpu.memory_space<vmem>> -> memref<1x128xi32, #tpu.memory_space<vmem>>
        %dma_start3A_132 = tpu.memref_squeeze %dma_start3A_131 : memref<1x128xi32, #tpu.memory_space<vmem>> -> memref<128xi32, #tpu.memory_space<vmem>>
        %dma_start3A_133 = arith.constant 0 : i32
        %dma_start3A_134 = arith.constant 0 : i32
        %dma_start3A_135 = tpu.memref_slice %arg11[%dma_start3A_133, %dma_start3A_134] : memref<10640x128xf32, #tpu.memory_space<vmem_shared>> -> memref<10640x128xf32, #tpu.memory_space<vmem_shared>>
        tpu.enqueue_indirect_dma source(%arg9 : memref<128x128xf32, #tpu.memory_space<vmem>>) target(%dma_start3A_135 : memref<10640x128xf32, #tpu.memory_space<vmem_shared>>) offsets(%dma_start3A_132 : memref<128xi32, #tpu.memory_space<vmem>>) semaphore(%run_scoped3A_129 : memref<!tpu.dma_semaphore, #tpu.memory_space<semaphore_mem>>) {add = true}
        %dma_wait3A_136 = arith.constant 0 : i32
        %dma_wait3A_137 = tpu.memref_slice %arg8[%add3A_98, %dma_wait3A_136] : memref<40x128xi32, #tpu.memory_space<vmem>> -> memref<1x128xi32, #tpu.memory_space<vmem>>
        %dma_wait3A_138 = tpu.memref_squeeze %dma_wait3A_137 : memref<1x128xi32, #tpu.memory_space<vmem>> -> memref<128xi32, #tpu.memory_space<vmem>>
        %dma_wait3A_139 = arith.constant 0 : i32
        %dma_wait3A_140 = arith.constant 0 : i32
        %dma_wait3A_141 = tpu.memref_slice %arg11[%dma_wait3A_139, %dma_wait3A_140] : memref<10640x128xf32, #tpu.memory_space<vmem_shared>> -> memref<10640x128xf32, #tpu.memory_space<vmem_shared>>
        tpu.wait_indirect_dma semaphore(%run_scoped3A_129 : memref<!tpu.dma_semaphore, #tpu.memory_space<semaphore_mem>>) src(%arg9 : memref<128x128xf32, #tpu.memory_space<vmem>>) dst(%dma_wait3A_141 : memref<10640x128xf32, #tpu.memory_space<vmem_shared>>)
        tpu.yield
      }) : () -> ()
      %add3A_105 = arith.constant 2 : i32
      %add3A_106 = arith.addi %add3A_98, %add3A_105 : i32
      %lt3A_107 = arith.constant 40 : i32
      %lt3A_108 = arith.cmpi slt, %add3A_106, %lt3A_107 : i32
      %convert_element_type3A_109 = arith.extui %lt3A_108 : i1 to i32
      %cond3A_110 = arith.constant 0 : i32
      %cond3A_111 = arith.cmpi ne, %convert_element_type3A_109, %cond3A_110 : i32
      scf.if %cond3A_111 {
        %add3A_129 = arith.constant 2 : i32
        %add3A_130 = arith.addi %add3A_98, %add3A_129 : i32
        %dma_start3A_131 = arith.constant 0 : i32
        %dma_start3A_132 = tpu.memref_slice %arg7[%add3A_130, %dma_start3A_131] : memref<40x128xi32, #tpu.memory_space<vmem>> -> memref<1x128xi32, #tpu.memory_space<vmem>>
        %dma_start3A_133 = tpu.memref_squeeze %dma_start3A_132 : memref<1x128xi32, #tpu.memory_space<vmem>> -> memref<128xi32, #tpu.memory_space<vmem>>
        %dma_start3A_134 = arith.constant 0 : i32
        %dma_start3A_135 = arith.constant 0 : i32
        %dma_start3A_136 = tpu.memref_slice %arg2[%dma_start3A_134, %dma_start3A_135] : memref<80000x128xf32, #tpu.memory_space<hbm>> -> memref<80000x128xf32, #tpu.memory_space<hbm>>
        tpu.enqueue_indirect_dma source(%dma_start3A_136 : memref<80000x128xf32, #tpu.memory_space<hbm>>) target(%arg9 : memref<128x128xf32, #tpu.memory_space<vmem>>) offsets(%dma_start3A_133 : memref<128xi32, #tpu.memory_space<vmem>>) semaphore(%arg12 : memref<!tpu.dma_semaphore, #tpu.memory_space<semaphore_mem>>)
      } else {
      }
      %mul3A_112 = arith.constant 2 : i32
      %mul3A_113 = arith.muli %mul3A_112, %scan3A_94 : i32
      %add3A_114 = arith.constant 1 : i32
      %add3A_115 = arith.addi %mul3A_113, %add3A_114 : i32
      %dma_wait3A_116 = arith.constant 0 : i32
      %dma_wait3A_117 = tpu.memref_slice %arg7[%add3A_115, %dma_wait3A_116] : memref<40x128xi32, #tpu.memory_space<vmem>> -> memref<1x128xi32, #tpu.memory_space<vmem>>
      %dma_wait3A_118 = tpu.memref_squeeze %dma_wait3A_117 : memref<1x128xi32, #tpu.memory_space<vmem>> -> memref<128xi32, #tpu.memory_space<vmem>>
      %dma_wait3A_119 = arith.constant 0 : i32
      %dma_wait3A_120 = arith.constant 0 : i32
      %dma_wait3A_121 = tpu.memref_slice %arg2[%dma_wait3A_119, %dma_wait3A_120] : memref<80000x128xf32, #tpu.memory_space<hbm>> -> memref<80000x128xf32, #tpu.memory_space<hbm>>
      tpu.wait_indirect_dma semaphore(%arg13 : memref<!tpu.dma_semaphore, #tpu.memory_space<semaphore_mem>>) src(%dma_wait3A_121 : memref<80000x128xf32, #tpu.memory_space<hbm>>) dst(%arg10 : memref<128x128xf32, #tpu.memory_space<vmem>>)
      "tpu.region"() ({
        %run_scoped3A_129 = tpu.sem_alloc : memref<!tpu.dma_semaphore, #tpu.memory_space<semaphore_mem>>
        %dma_start3A_130 = arith.constant 0 : i32
        %dma_start3A_131 = tpu.memref_slice %arg8[%add3A_115, %dma_start3A_130] : memref<40x128xi32, #tpu.memory_space<vmem>> -> memref<1x128xi32, #tpu.memory_space<vmem>>
        %dma_start3A_132 = tpu.memref_squeeze %dma_start3A_131 : memref<1x128xi32, #tpu.memory_space<vmem>> -> memref<128xi32, #tpu.memory_space<vmem>>
        %dma_start3A_133 = arith.constant 0 : i32
        %dma_start3A_134 = arith.constant 0 : i32
        %dma_start3A_135 = tpu.memref_slice %arg11[%dma_start3A_133, %dma_start3A_134] : memref<10640x128xf32, #tpu.memory_space<vmem_shared>> -> memref<10640x128xf32, #tpu.memory_space<vmem_shared>>
        tpu.enqueue_indirect_dma source(%arg10 : memref<128x128xf32, #tpu.memory_space<vmem>>) target(%dma_start3A_135 : memref<10640x128xf32, #tpu.memory_space<vmem_shared>>) offsets(%dma_start3A_132 : memref<128xi32, #tpu.memory_space<vmem>>) semaphore(%run_scoped3A_129 : memref<!tpu.dma_semaphore, #tpu.memory_space<semaphore_mem>>) {add = true}
        %dma_wait3A_136 = arith.constant 0 : i32
        %dma_wait3A_137 = tpu.memref_slice %arg8[%add3A_115, %dma_wait3A_136] : memref<40x128xi32, #tpu.memory_space<vmem>> -> memref<1x128xi32, #tpu.memory_space<vmem>>
        %dma_wait3A_138 = tpu.memref_squeeze %dma_wait3A_137 : memref<1x128xi32, #tpu.memory_space<vmem>> -> memref<128xi32, #tpu.memory_space<vmem>>
        %dma_wait3A_139 = arith.constant 0 : i32
        %dma_wait3A_140 = arith.constant 0 : i32
        %dma_wait3A_141 = tpu.memref_slice %arg11[%dma_wait3A_139, %dma_wait3A_140] : memref<10640x128xf32, #tpu.memory_space<vmem_shared>> -> memref<10640x128xf32, #tpu.memory_space<vmem_shared>>
        tpu.wait_indirect_dma semaphore(%run_scoped3A_129 : memref<!tpu.dma_semaphore, #tpu.memory_space<semaphore_mem>>) src(%arg10 : memref<128x128xf32, #tpu.memory_space<vmem>>) dst(%dma_wait3A_141 : memref<10640x128xf32, #tpu.memory_space<vmem_shared>>)
        tpu.yield
      }) : () -> ()
      %add3A_122 = arith.constant 2 : i32
      %add3A_123 = arith.addi %add3A_115, %add3A_122 : i32
      %lt3A_124 = arith.constant 40 : i32
      %lt3A_125 = arith.cmpi slt, %add3A_123, %lt3A_124 : i32
      %convert_element_type3A_126 = arith.extui %lt3A_125 : i1 to i32
      %cond3A_127 = arith.constant 0 : i32
      %cond3A_128 = arith.cmpi ne, %convert_element_type3A_126, %cond3A_127 : i32
      scf.if %cond3A_128 {
        %add3A_129 = arith.constant 2 : i32
        %add3A_130 = arith.addi %add3A_115, %add3A_129 : i32
        %dma_start3A_131 = arith.constant 0 : i32
        %dma_start3A_132 = tpu.memref_slice %arg7[%add3A_130, %dma_start3A_131] : memref<40x128xi32, #tpu.memory_space<vmem>> -> memref<1x128xi32, #tpu.memory_space<vmem>>
        %dma_start3A_133 = tpu.memref_squeeze %dma_start3A_132 : memref<1x128xi32, #tpu.memory_space<vmem>> -> memref<128xi32, #tpu.memory_space<vmem>>
        %dma_start3A_134 = arith.constant 0 : i32
        %dma_start3A_135 = arith.constant 0 : i32
        %dma_start3A_136 = tpu.memref_slice %arg2[%dma_start3A_134, %dma_start3A_135] : memref<80000x128xf32, #tpu.memory_space<hbm>> -> memref<80000x128xf32, #tpu.memory_space<hbm>>
        tpu.enqueue_indirect_dma source(%dma_start3A_136 : memref<80000x128xf32, #tpu.memory_space<hbm>>) target(%arg10 : memref<128x128xf32, #tpu.memory_space<vmem>>) offsets(%dma_start3A_133 : memref<128xi32, #tpu.memory_space<vmem>>) semaphore(%arg13 : memref<!tpu.dma_semaphore, #tpu.memory_space<semaphore_mem>>)
      } else {
      }
    }
    %scan3A_61 = arith.constant 20 : i32
    %run_scoped3A = arith.constant 1 : i32
    "tpu.region"() ({
      %run_scoped3A_94 = tpu.sem_alloc : memref<!tpu.dma_semaphore, #tpu.memory_space<semaphore_mem>>
      %dma_start3A_95 = arith.constant 0 : i32
      %dma_start3A_96 = arith.constant 0 : i32
      %dma_start3A_97 = tpu.memref_slice %arg3[%add3A, %run_scoped3A, %dma_start3A_95, %dma_start3A_96] : memref<32x2x40x128xi32, #tpu.memory_space<hbm>> -> memref<1x1x40x128xi32, #tpu.memory_space<hbm>>
      %dma_start3A_98 = tpu.memref_squeeze %dma_start3A_97 : memref<1x1x40x128xi32, #tpu.memory_space<hbm>> -> memref<40x128xi32, #tpu.memory_space<hbm>>
      %dma_start3A_99 = arith.constant 0 : i32
      %dma_start3A_100 = arith.constant 0 : i32
      %dma_start3A_101 = tpu.memref_slice %arg3[%add3A, %run_scoped3A, %dma_start3A_99, %dma_start3A_100] : memref<32x2x40x128xi32, #tpu.memory_space<hbm>> -> memref<1x1x40x128xi32, #tpu.memory_space<hbm>>
      %dma_start3A_102 = tpu.memref_squeeze %dma_start3A_101 : memref<1x1x40x128xi32, #tpu.memory_space<hbm>> -> memref<40x128xi32, #tpu.memory_space<hbm>>
      tpu.enqueue_dma source(%dma_start3A_102 : memref<40x128xi32, #tpu.memory_space<hbm>>) target(%arg7 : memref<40x128xi32, #tpu.memory_space<vmem>>) target_semaphore(%run_scoped3A_94 : memref<!tpu.dma_semaphore, #tpu.memory_space<semaphore_mem>>)
      %dma_wait3A_103 = arith.constant 0 : i32
      %dma_wait3A_104 = arith.constant 0 : i32
      %dma_wait3A_105 = tpu.memref_slice %arg3[%add3A, %run_scoped3A, %dma_wait3A_103, %dma_wait3A_104] : memref<32x2x40x128xi32, #tpu.memory_space<hbm>> -> memref<1x1x40x128xi32, #tpu.memory_space<hbm>>
      %dma_wait3A_106 = tpu.memref_squeeze %dma_wait3A_105 : memref<1x1x40x128xi32, #tpu.memory_space<hbm>> -> memref<40x128xi32, #tpu.memory_space<hbm>>
      %dma_wait3A_107 = arith.constant 0 : i32
      %dma_wait3A_108 = arith.constant 0 : i32
      %dma_wait3A_109 = tpu.memref_slice %arg3[%add3A, %run_scoped3A, %dma_wait3A_107, %dma_wait3A_108] : memref<32x2x40x128xi32, #tpu.memory_space<hbm>> -> memref<1x1x40x128xi32, #tpu.memory_space<hbm>>
      %dma_wait3A_110 = tpu.memref_squeeze %dma_wait3A_109 : memref<1x1x40x128xi32, #tpu.memory_space<hbm>> -> memref<40x128xi32, #tpu.memory_space<hbm>>
      tpu.wait_dma2 semaphore(%run_scoped3A_94 : memref<!tpu.dma_semaphore, #tpu.memory_space<semaphore_mem>>) src(%dma_wait3A_110 : memref<40x128xi32, #tpu.memory_space<hbm>>) dst(%arg7 : memref<40x128xi32, #tpu.memory_space<vmem>>)
      tpu.yield
    }) : () -> ()
    %run_scoped3A_62 = arith.constant 1 : i32
    "tpu.region"() ({
      %run_scoped3A_94 = tpu.sem_alloc : memref<!tpu.dma_semaphore, #tpu.memory_space<semaphore_mem>>
      %dma_start3A_95 = arith.constant 0 : i32
      %dma_start3A_96 = arith.constant 0 : i32
      %dma_start3A_97 = tpu.memref_slice %arg4[%add3A, %run_scoped3A_62, %dma_start3A_95, %dma_start3A_96] : memref<32x2x40x128xi32, #tpu.memory_space<hbm>> -> memref<1x1x40x128xi32, #tpu.memory_space<hbm>>
      %dma_start3A_98 = tpu.memref_squeeze %dma_start3A_97 : memref<1x1x40x128xi32, #tpu.memory_space<hbm>> -> memref<40x128xi32, #tpu.memory_space<hbm>>
      %dma_start3A_99 = arith.constant 0 : i32
      %dma_start3A_100 = arith.constant 0 : i32
      %dma_start3A_101 = tpu.memref_slice %arg4[%add3A, %run_scoped3A_62, %dma_start3A_99, %dma_start3A_100] : memref<32x2x40x128xi32, #tpu.memory_space<hbm>> -> memref<1x1x40x128xi32, #tpu.memory_space<hbm>>
      %dma_start3A_102 = tpu.memref_squeeze %dma_start3A_101 : memref<1x1x40x128xi32, #tpu.memory_space<hbm>> -> memref<40x128xi32, #tpu.memory_space<hbm>>
      tpu.enqueue_dma source(%dma_start3A_102 : memref<40x128xi32, #tpu.memory_space<hbm>>) target(%arg8 : memref<40x128xi32, #tpu.memory_space<vmem>>) target_semaphore(%run_scoped3A_94 : memref<!tpu.dma_semaphore, #tpu.memory_space<semaphore_mem>>)
      %dma_wait3A_103 = arith.constant 0 : i32
      %dma_wait3A_104 = arith.constant 0 : i32
      %dma_wait3A_105 = tpu.memref_slice %arg4[%add3A, %run_scoped3A_62, %dma_wait3A_103, %dma_wait3A_104] : memref<32x2x40x128xi32, #tpu.memory_space<hbm>> -> memref<1x1x40x128xi32, #tpu.memory_space<hbm>>
      %dma_wait3A_106 = tpu.memref_squeeze %dma_wait3A_105 : memref<1x1x40x128xi32, #tpu.memory_space<hbm>> -> memref<40x128xi32, #tpu.memory_space<hbm>>
      %dma_wait3A_107 = arith.constant 0 : i32
      %dma_wait3A_108 = arith.constant 0 : i32
      %dma_wait3A_109 = tpu.memref_slice %arg4[%add3A, %run_scoped3A_62, %dma_wait3A_107, %dma_wait3A_108] : memref<32x2x40x128xi32, #tpu.memory_space<hbm>> -> memref<1x1x40x128xi32, #tpu.memory_space<hbm>>
      %dma_wait3A_110 = tpu.memref_squeeze %dma_wait3A_109 : memref<1x1x40x128xi32, #tpu.memory_space<hbm>> -> memref<40x128xi32, #tpu.memory_space<hbm>>
      tpu.wait_dma2 semaphore(%run_scoped3A_94 : memref<!tpu.dma_semaphore, #tpu.memory_space<semaphore_mem>>) src(%dma_wait3A_110 : memref<40x128xi32, #tpu.memory_space<hbm>>) dst(%arg8 : memref<40x128xi32, #tpu.memory_space<vmem>>)
      tpu.yield
    }) : () -> ()
    %dma_start3A_63 = arith.constant 0 : i32
    %dma_start3A_64 = arith.constant 0 : i32
    %dma_start3A_65 = tpu.memref_slice %arg7[%dma_start3A_63, %dma_start3A_64] : memref<40x128xi32, #tpu.memory_space<vmem>> -> memref<1x128xi32, #tpu.memory_space<vmem>>
    %dma_start3A_66 = tpu.memref_squeeze %dma_start3A_65 : memref<1x128xi32, #tpu.memory_space<vmem>> -> memref<128xi32, #tpu.memory_space<vmem>>
    %dma_start3A_67 = arith.constant 0 : i32
    %dma_start3A_68 = arith.constant 0 : i32
    %dma_start3A_69 = tpu.memref_slice %arg2[%dma_start3A_67, %dma_start3A_68] : memref<80000x128xf32, #tpu.memory_space<hbm>> -> memref<80000x128xf32, #tpu.memory_space<hbm>>
    tpu.enqueue_indirect_dma source(%dma_start3A_69 : memref<80000x128xf32, #tpu.memory_space<hbm>>) target(%arg9 : memref<128x128xf32, #tpu.memory_space<vmem>>) offsets(%dma_start3A_66 : memref<128xi32, #tpu.memory_space<vmem>>) semaphore(%arg12 : memref<!tpu.dma_semaphore, #tpu.memory_space<semaphore_mem>>)
    %dma_start3A_70 = arith.constant 1 : i32
    %dma_start3A_71 = arith.constant 0 : i32
    %dma_start3A_72 = tpu.memref_slice %arg7[%dma_start3A_70, %dma_start3A_71] : memref<40x128xi32, #tpu.memory_space<vmem>> -> memref<1x128xi32, #tpu.memory_space<vmem>>
    %dma_start3A_73 = tpu.memref_squeeze %dma_start3A_72 : memref<1x128xi32, #tpu.memory_space<vmem>> -> memref<128xi32, #tpu.memory_space<vmem>>
    %dma_start3A_74 = arith.constant 0 : i32
    %dma_start3A_75 = arith.constant 0 : i32
    %dma_start3A_76 = tpu.memref_slice %arg2[%dma_start3A_74, %dma_start3A_75] : memref<80000x128xf32, #tpu.memory_space<hbm>> -> memref<80000x128xf32, #tpu.memory_space<hbm>>
    tpu.enqueue_indirect_dma source(%dma_start3A_76 : memref<80000x128xf32, #tpu.memory_space<hbm>>) target(%arg10 : memref<128x128xf32, #tpu.memory_space<vmem>>) offsets(%dma_start3A_73 : memref<128xi32, #tpu.memory_space<vmem>>) semaphore(%arg13 : memref<!tpu.dma_semaphore, #tpu.memory_space<semaphore_mem>>)
    %scan3A_77 = arith.constant 0 : i32
    %scan3A_78 = arith.constant 0 : i32
    %scan3A_79 = arith.constant 20 : i32
    %scan3A_80 = arith.addi %scan3A_78, %scan3A_79 : i32
    %scan3A_81 = arith.constant 1 : i32
    scf.for %scan3A_94 = %scan3A_78 to %scan3A_80 step %scan3A_81  : i32 {
      %mul3A_95 = arith.constant 2 : i32
      %mul3A_96 = arith.muli %mul3A_95, %scan3A_94 : i32
      %add3A_97 = arith.constant 0 : i32
      %add3A_98 = arith.addi %mul3A_96, %add3A_97 : i32
      %dma_wait3A_99 = arith.constant 0 : i32
      %dma_wait3A_100 = tpu.memref_slice %arg7[%add3A_98, %dma_wait3A_99] : memref<40x128xi32, #tpu.memory_space<vmem>> -> memref<1x128xi32, #tpu.memory_space<vmem>>
      %dma_wait3A_101 = tpu.memref_squeeze %dma_wait3A_100 : memref<1x128xi32, #tpu.memory_space<vmem>> -> memref<128xi32, #tpu.memory_space<vmem>>
      %dma_wait3A_102 = arith.constant 0 : i32
      %dma_wait3A_103 = arith.constant 0 : i32
      %dma_wait3A_104 = tpu.memref_slice %arg2[%dma_wait3A_102, %dma_wait3A_103] : memref<80000x128xf32, #tpu.memory_space<hbm>> -> memref<80000x128xf32, #tpu.memory_space<hbm>>
      tpu.wait_indirect_dma semaphore(%arg12 : memref<!tpu.dma_semaphore, #tpu.memory_space<semaphore_mem>>) src(%dma_wait3A_104 : memref<80000x128xf32, #tpu.memory_space<hbm>>) dst(%arg9 : memref<128x128xf32, #tpu.memory_space<vmem>>)
      "tpu.region"() ({
        %run_scoped3A_129 = tpu.sem_alloc : memref<!tpu.dma_semaphore, #tpu.memory_space<semaphore_mem>>
        %dma_start3A_130 = arith.constant 0 : i32
        %dma_start3A_131 = tpu.memref_slice %arg8[%add3A_98, %dma_start3A_130] : memref<40x128xi32, #tpu.memory_space<vmem>> -> memref<1x128xi32, #tpu.memory_space<vmem>>
        %dma_start3A_132 = tpu.memref_squeeze %dma_start3A_131 : memref<1x128xi32, #tpu.memory_space<vmem>> -> memref<128xi32, #tpu.memory_space<vmem>>
        %dma_start3A_133 = arith.constant 0 : i32
        %dma_start3A_134 = arith.constant 0 : i32
        %dma_start3A_135 = tpu.memref_slice %arg11[%dma_start3A_133, %dma_start3A_134] : memref<10640x128xf32, #tpu.memory_space<vmem_shared>> -> memref<10640x128xf32, #tpu.memory_space<vmem_shared>>
        tpu.enqueue_indirect_dma source(%arg9 : memref<128x128xf32, #tpu.memory_space<vmem>>) target(%dma_start3A_135 : memref<10640x128xf32, #tpu.memory_space<vmem_shared>>) offsets(%dma_start3A_132 : memref<128xi32, #tpu.memory_space<vmem>>) semaphore(%run_scoped3A_129 : memref<!tpu.dma_semaphore, #tpu.memory_space<semaphore_mem>>) {add = true}
        %dma_wait3A_136 = arith.constant 0 : i32
        %dma_wait3A_137 = tpu.memref_slice %arg8[%add3A_98, %dma_wait3A_136] : memref<40x128xi32, #tpu.memory_space<vmem>> -> memref<1x128xi32, #tpu.memory_space<vmem>>
        %dma_wait3A_138 = tpu.memref_squeeze %dma_wait3A_137 : memref<1x128xi32, #tpu.memory_space<vmem>> -> memref<128xi32, #tpu.memory_space<vmem>>
        %dma_wait3A_139 = arith.constant 0 : i32
        %dma_wait3A_140 = arith.constant 0 : i32
        %dma_wait3A_141 = tpu.memref_slice %arg11[%dma_wait3A_139, %dma_wait3A_140] : memref<10640x128xf32, #tpu.memory_space<vmem_shared>> -> memref<10640x128xf32, #tpu.memory_space<vmem_shared>>
        tpu.wait_indirect_dma semaphore(%run_scoped3A_129 : memref<!tpu.dma_semaphore, #tpu.memory_space<semaphore_mem>>) src(%arg9 : memref<128x128xf32, #tpu.memory_space<vmem>>) dst(%dma_wait3A_141 : memref<10640x128xf32, #tpu.memory_space<vmem_shared>>)
        tpu.yield
      }) : () -> ()
      %add3A_105 = arith.constant 2 : i32
      %add3A_106 = arith.addi %add3A_98, %add3A_105 : i32
      %lt3A_107 = arith.constant 40 : i32
      %lt3A_108 = arith.cmpi slt, %add3A_106, %lt3A_107 : i32
      %convert_element_type3A_109 = arith.extui %lt3A_108 : i1 to i32
      %cond3A_110 = arith.constant 0 : i32
      %cond3A_111 = arith.cmpi ne, %convert_element_type3A_109, %cond3A_110 : i32
      scf.if %cond3A_111 {
        %add3A_129 = arith.constant 2 : i32
        %add3A_130 = arith.addi %add3A_98, %add3A_129 : i32
        %dma_start3A_131 = arith.constant 0 : i32
        %dma_start3A_132 = tpu.memref_slice %arg7[%add3A_130, %dma_start3A_131] : memref<40x128xi32, #tpu.memory_space<vmem>> -> memref<1x128xi32, #tpu.memory_space<vmem>>
        %dma_start3A_133 = tpu.memref_squeeze %dma_start3A_132 : memref<1x128xi32, #tpu.memory_space<vmem>> -> memref<128xi32, #tpu.memory_space<vmem>>
        %dma_start3A_134 = arith.constant 0 : i32
        %dma_start3A_135 = arith.constant 0 : i32
        %dma_start3A_136 = tpu.memref_slice %arg2[%dma_start3A_134, %dma_start3A_135] : memref<80000x128xf32, #tpu.memory_space<hbm>> -> memref<80000x128xf32, #tpu.memory_space<hbm>>
        tpu.enqueue_indirect_dma source(%dma_start3A_136 : memref<80000x128xf32, #tpu.memory_space<hbm>>) target(%arg9 : memref<128x128xf32, #tpu.memory_space<vmem>>) offsets(%dma_start3A_133 : memref<128xi32, #tpu.memory_space<vmem>>) semaphore(%arg12 : memref<!tpu.dma_semaphore, #tpu.memory_space<semaphore_mem>>)
      } else {
      }
      %mul3A_112 = arith.constant 2 : i32
      %mul3A_113 = arith.muli %mul3A_112, %scan3A_94 : i32
      %add3A_114 = arith.constant 1 : i32
      %add3A_115 = arith.addi %mul3A_113, %add3A_114 : i32
      %dma_wait3A_116 = arith.constant 0 : i32
      %dma_wait3A_117 = tpu.memref_slice %arg7[%add3A_115, %dma_wait3A_116] : memref<40x128xi32, #tpu.memory_space<vmem>> -> memref<1x128xi32, #tpu.memory_space<vmem>>
      %dma_wait3A_118 = tpu.memref_squeeze %dma_wait3A_117 : memref<1x128xi32, #tpu.memory_space<vmem>> -> memref<128xi32, #tpu.memory_space<vmem>>
      %dma_wait3A_119 = arith.constant 0 : i32
      %dma_wait3A_120 = arith.constant 0 : i32
      %dma_wait3A_121 = tpu.memref_slice %arg2[%dma_wait3A_119, %dma_wait3A_120] : memref<80000x128xf32, #tpu.memory_space<hbm>> -> memref<80000x128xf32, #tpu.memory_space<hbm>>
      tpu.wait_indirect_dma semaphore(%arg13 : memref<!tpu.dma_semaphore, #tpu.memory_space<semaphore_mem>>) src(%dma_wait3A_121 : memref<80000x128xf32, #tpu.memory_space<hbm>>) dst(%arg10 : memref<128x128xf32, #tpu.memory_space<vmem>>)
      "tpu.region"() ({
        %run_scoped3A_129 = tpu.sem_alloc : memref<!tpu.dma_semaphore, #tpu.memory_space<semaphore_mem>>
        %dma_start3A_130 = arith.constant 0 : i32
        %dma_start3A_131 = tpu.memref_slice %arg8[%add3A_115, %dma_start3A_130] : memref<40x128xi32, #tpu.memory_space<vmem>> -> memref<1x128xi32, #tpu.memory_space<vmem>>
        %dma_start3A_132 = tpu.memref_squeeze %dma_start3A_131 : memref<1x128xi32, #tpu.memory_space<vmem>> -> memref<128xi32, #tpu.memory_space<vmem>>
        %dma_start3A_133 = arith.constant 0 : i32
        %dma_start3A_134 = arith.constant 0 : i32
        %dma_start3A_135 = tpu.memref_slice %arg11[%dma_start3A_133, %dma_start3A_134] : memref<10640x128xf32, #tpu.memory_space<vmem_shared>> -> memref<10640x128xf32, #tpu.memory_space<vmem_shared>>
        tpu.enqueue_indirect_dma source(%arg10 : memref<128x128xf32, #tpu.memory_space<vmem>>) target(%dma_start3A_135 : memref<10640x128xf32, #tpu.memory_space<vmem_shared>>) offsets(%dma_start3A_132 : memref<128xi32, #tpu.memory_space<vmem>>) semaphore(%run_scoped3A_129 : memref<!tpu.dma_semaphore, #tpu.memory_space<semaphore_mem>>) {add = true}
        %dma_wait3A_136 = arith.constant 0 : i32
        %dma_wait3A_137 = tpu.memref_slice %arg8[%add3A_115, %dma_wait3A_136] : memref<40x128xi32, #tpu.memory_space<vmem>> -> memref<1x128xi32, #tpu.memory_space<vmem>>
        %dma_wait3A_138 = tpu.memref_squeeze %dma_wait3A_137 : memref<1x128xi32, #tpu.memory_space<vmem>> -> memref<128xi32, #tpu.memory_space<vmem>>
        %dma_wait3A_139 = arith.constant 0 : i32
        %dma_wait3A_140 = arith.constant 0 : i32
        %dma_wait3A_141 = tpu.memref_slice %arg11[%dma_wait3A_139, %dma_wait3A_140] : memref<10640x128xf32, #tpu.memory_space<vmem_shared>> -> memref<10640x128xf32, #tpu.memory_space<vmem_shared>>
        tpu.wait_indirect_dma semaphore(%run_scoped3A_129 : memref<!tpu.dma_semaphore, #tpu.memory_space<semaphore_mem>>) src(%arg10 : memref<128x128xf32, #tpu.memory_space<vmem>>) dst(%dma_wait3A_141 : memref<10640x128xf32, #tpu.memory_space<vmem_shared>>)
        tpu.yield
      }) : () -> ()
      %add3A_122 = arith.constant 2 : i32
      %add3A_123 = arith.addi %add3A_115, %add3A_122 : i32
      %lt3A_124 = arith.constant 40 : i32
      %lt3A_125 = arith.cmpi slt, %add3A_123, %lt3A_124 : i32
      %convert_element_type3A_126 = arith.extui %lt3A_125 : i1 to i32
      %cond3A_127 = arith.constant 0 : i32
      %cond3A_128 = arith.cmpi ne, %convert_element_type3A_126, %cond3A_127 : i32
      scf.if %cond3A_128 {
        %add3A_129 = arith.constant 2 : i32
        %add3A_130 = arith.addi %add3A_115, %add3A_129 : i32
        %dma_start3A_131 = arith.constant 0 : i32
        %dma_start3A_132 = tpu.memref_slice %arg7[%add3A_130, %dma_start3A_131] : memref<40x128xi32, #tpu.memory_space<vmem>> -> memref<1x128xi32, #tpu.memory_space<vmem>>
        %dma_start3A_133 = tpu.memref_squeeze %dma_start3A_132 : memref<1x128xi32, #tpu.memory_space<vmem>> -> memref<128xi32, #tpu.memory_space<vmem>>
        %dma_start3A_134 = arith.constant 0 : i32
        %dma_start3A_135 = arith.constant 0 : i32
        %dma_start3A_136 = tpu.memref_slice %arg2[%dma_start3A_134, %dma_start3A_135] : memref<80000x128xf32, #tpu.memory_space<hbm>> -> memref<80000x128xf32, #tpu.memory_space<hbm>>
        tpu.enqueue_indirect_dma source(%dma_start3A_136 : memref<80000x128xf32, #tpu.memory_space<hbm>>) target(%arg10 : memref<128x128xf32, #tpu.memory_space<vmem>>) offsets(%dma_start3A_133 : memref<128xi32, #tpu.memory_space<vmem>>) semaphore(%arg13 : memref<!tpu.dma_semaphore, #tpu.memory_space<semaphore_mem>>)
      } else {
      }
    }
    %scan3A_82 = arith.constant 20 : i32
    %barrier3A_83 = arith.constant 0 : index
    tpu.barrier barrier_id(%barrier3A_83)
    %lt3A_84 = arith.constant 15 : i32
    %lt3A_85 = arith.cmpi slt, %arg1, %lt3A_84 : i32
    %convert_element_type3A_86 = arith.extui %lt3A_85 : i1 to i32
    %cond3A_87 = arith.constant 0 : i32
    %cond3A_88 = arith.cmpi ne, %convert_element_type3A_86, %cond3A_87 : i32
    scf.if %cond3A_88 {
      "tpu.region"() ({
        %run_scoped3A_94 = tpu.sem_alloc : memref<!tpu.dma_semaphore, #tpu.memory_space<semaphore_mem>>
        %dma_start3A_95 = arith.constant 0 : i32
        %dma_start3A_96 = arith.constant 0 : i32
        %dma_start3A_97 = tpu.memref_slice %arg6[%arg0, %dma_start3A_95, %dma_start3A_96] : memref<2x10000x128xf32, #tpu.memory_space<hbm>> -> memref<1x10000x128xf32, #tpu.memory_space<hbm>>
        %dma_start3A_98 = tpu.memref_squeeze %dma_start3A_97 : memref<1x10000x128xf32, #tpu.memory_space<hbm>> -> memref<10000x128xf32, #tpu.memory_space<hbm>>
        %dma_start3A_99 = arith.constant 0 : i32
        %dma_start3A_100 = tpu.memref_slice %dma_start3A_98[%mul3A_2, %dma_start3A_99] : memref<10000x128xf32, #tpu.memory_space<hbm>> -> memref<640x128xf32, #tpu.memory_space<hbm>>
        %dma_start3A_101 = arith.constant 0 : i32
        %dma_start3A_102 = tpu.memref_slice %arg11[%mul3A_2, %dma_start3A_101] : memref<10640x128xf32, #tpu.memory_space<vmem_shared>> -> memref<640x128xf32, #tpu.memory_space<vmem_shared>>
        tpu.enqueue_dma source(%dma_start3A_102 : memref<640x128xf32, #tpu.memory_space<vmem_shared>>) target(%dma_start3A_100 : memref<640x128xf32, #tpu.memory_space<hbm>>) target_semaphore(%run_scoped3A_94 : memref<!tpu.dma_semaphore, #tpu.memory_space<semaphore_mem>>)
        %dma_wait3A_103 = arith.constant 0 : i32
        %dma_wait3A_104 = arith.constant 0 : i32
        %dma_wait3A_105 = tpu.memref_slice %arg6[%arg0, %dma_wait3A_103, %dma_wait3A_104] : memref<2x10000x128xf32, #tpu.memory_space<hbm>> -> memref<1x10000x128xf32, #tpu.memory_space<hbm>>
        %dma_wait3A_106 = tpu.memref_squeeze %dma_wait3A_105 : memref<1x10000x128xf32, #tpu.memory_space<hbm>> -> memref<10000x128xf32, #tpu.memory_space<hbm>>
        %dma_wait3A_107 = arith.constant 0 : i32
        %dma_wait3A_108 = tpu.memref_slice %dma_wait3A_106[%mul3A_2, %dma_wait3A_107] : memref<10000x128xf32, #tpu.memory_space<hbm>> -> memref<640x128xf32, #tpu.memory_space<hbm>>
        %dma_wait3A_109 = arith.constant 0 : i32
        %dma_wait3A_110 = tpu.memref_slice %arg11[%mul3A_2, %dma_wait3A_109] : memref<10640x128xf32, #tpu.memory_space<vmem_shared>> -> memref<640x128xf32, #tpu.memory_space<vmem_shared>>
        tpu.wait_dma2 semaphore(%run_scoped3A_94 : memref<!tpu.dma_semaphore, #tpu.memory_space<semaphore_mem>>) src(%dma_wait3A_110 : memref<640x128xf32, #tpu.memory_space<vmem_shared>>) dst(%dma_wait3A_108 : memref<640x128xf32, #tpu.memory_space<hbm>>)
        tpu.yield
      }) : () -> ()
    } else {
    }
    %eq3A_89 = arith.constant 15 : i32
    %eq3A_90 = arith.cmpi eq, %arg1, %eq3A_89 : i32
    %convert_element_type3A_91 = arith.extui %eq3A_90 : i1 to i32
    %cond3A_92 = arith.constant 0 : i32
    %cond3A_93 = arith.cmpi ne, %convert_element_type3A_91, %cond3A_92 : i32
    scf.if %cond3A_93 {
      "tpu.region"() ({
        %run_scoped3A_94 = tpu.sem_alloc : memref<!tpu.dma_semaphore, #tpu.memory_space<semaphore_mem>>
        %dma_start3A_95 = arith.constant 0 : i32
        %dma_start3A_96 = arith.constant 0 : i32
        %dma_start3A_97 = tpu.memref_slice %arg6[%arg0, %dma_start3A_95, %dma_start3A_96] : memref<2x10000x128xf32, #tpu.memory_space<hbm>> -> memref<1x10000x128xf32, #tpu.memory_space<hbm>>
        %dma_start3A_98 = tpu.memref_squeeze %dma_start3A_97 : memref<1x10000x128xf32, #tpu.memory_space<hbm>> -> memref<10000x128xf32, #tpu.memory_space<hbm>>
        %dma_start3A_99 = arith.constant 0 : i32
        %dma_start3A_100 = tpu.memref_slice %dma_start3A_98[%mul3A_2, %dma_start3A_99] : memref<10000x128xf32, #tpu.memory_space<hbm>> -> memref<400x128xf32, #tpu.memory_space<hbm>>
        %dma_start3A_101 = arith.constant 0 : i32
        %dma_start3A_102 = tpu.memref_slice %arg11[%mul3A_2, %dma_start3A_101] : memref<10640x128xf32, #tpu.memory_space<vmem_shared>> -> memref<400x128xf32, #tpu.memory_space<vmem_shared>>
        tpu.enqueue_dma source(%dma_start3A_102 : memref<400x128xf32, #tpu.memory_space<vmem_shared>>) target(%dma_start3A_100 : memref<400x128xf32, #tpu.memory_space<hbm>>) target_semaphore(%run_scoped3A_94 : memref<!tpu.dma_semaphore, #tpu.memory_space<semaphore_mem>>)
        %dma_wait3A_103 = arith.constant 0 : i32
        %dma_wait3A_104 = arith.constant 0 : i32
        %dma_wait3A_105 = tpu.memref_slice %arg6[%arg0, %dma_wait3A_103, %dma_wait3A_104] : memref<2x10000x128xf32, #tpu.memory_space<hbm>> -> memref<1x10000x128xf32, #tpu.memory_space<hbm>>
        %dma_wait3A_106 = tpu.memref_squeeze %dma_wait3A_105 : memref<1x10000x128xf32, #tpu.memory_space<hbm>> -> memref<10000x128xf32, #tpu.memory_space<hbm>>
        %dma_wait3A_107 = arith.constant 0 : i32
        %dma_wait3A_108 = tpu.memref_slice %dma_wait3A_106[%mul3A_2, %dma_wait3A_107] : memref<10000x128xf32, #tpu.memory_space<hbm>> -> memref<400x128xf32, #tpu.memory_space<hbm>>
        %dma_wait3A_109 = arith.constant 0 : i32
        %dma_wait3A_110 = tpu.memref_slice %arg11[%mul3A_2, %dma_wait3A_109] : memref<10640x128xf32, #tpu.memory_space<vmem_shared>> -> memref<400x128xf32, #tpu.memory_space<vmem_shared>>
        tpu.wait_dma2 semaphore(%run_scoped3A_94 : memref<!tpu.dma_semaphore, #tpu.memory_space<semaphore_mem>>) src(%dma_wait3A_110 : memref<400x128xf32, #tpu.memory_space<vmem_shared>>) dst(%dma_wait3A_108 : memref<400x128xf32, #tpu.memory_space<hbm>>)
        tpu.yield
      }) : () -> ()
    } else {
    }
    return
  }
}

module attributes {stable_mosaic.version = 14 : i64} {
  func.func @_gidx_body(%arg0: memref<2x2500x128xi32, #tpu.memory_space<vmem>>, %arg1: memref<2500x128xi32, #tpu.memory_space<vmem>>, %arg2: memref<32x2x40x128xi32, #tpu.memory_space<vmem>>, %arg3: memref<32x2x40x128xi32, #tpu.memory_space<vmem>>) attributes {dimension_semantics = [], scalar_prefetch = 0 : i64, scratch_operands = 0 : i64, tpu.core_type = #tpu.core_type<tc>} {
    %iota3A = tpu.iota {dimensions = array<i32: 0>} : vector<60x128xi32>
    %mul3A = arith.constant 128 : i32
    %mul3A_0 = vector.broadcast %mul3A : i32 to vector<60x128xi32>
    %mul3A_1 = arith.muli %iota3A, %mul3A_0 : vector<60x128xi32>
    %iota3A_2 = tpu.iota {dimensions = array<i32: 1>} : vector<60x128xi32>
    %add3A = arith.addi %mul3A_1, %iota3A_2 : vector<60x128xi32>
    %get3A = arith.constant 0 : index
    %get3A_3 = arith.constant 0 : index
    %get3A_4 = arith.constant 0 : index
    %get3A_5 = vector.load %arg0[%get3A, %get3A_3, %get3A_4] : memref<2x2500x128xi32, #tpu.memory_space<vmem>>, vector<1x2500x128xi32>
    %get3A_6 = vector.shape_cast %get3A_5 : vector<1x2500x128xi32> to vector<2500x128xi32>
    %mul3A_7 = arith.constant 8 : i32
    %mul3A_8 = vector.broadcast %mul3A_7 : i32 to vector<2500x128xi32>
    %mul3A_9 = arith.muli %get3A_6, %mul3A_8 : vector<2500x128xi32>
    %get3A_10 = arith.constant 0 : index
    %get3A_11 = arith.constant 0 : index
    %get3A_12 = vector.load %arg1[%get3A_10, %get3A_11] : memref<2500x128xi32, #tpu.memory_space<vmem>>, vector<2500x128xi32>
    %add3A_13 = arith.addi %mul3A_9, %get3A_12 : vector<2500x128xi32>
    %jit3A = arith.constant 80000 : i32
    %eq3A = arith.constant 0 : i32
    %eq3A_14 = arith.cmpi eq, %jit3A, %eq3A : i32
    %jit3A_15 = arith.constant 1 : i32
    %select_n3A = arith.select %eq3A_14, %jit3A_15, %jit3A : i32
    %rem3A = vector.broadcast %select_n3A : i32 to vector<60x128xi32>
    %rem3A_16 = arith.remsi %add3A, %rem3A : vector<60x128xi32>
    %ne3A = arith.constant 0 : i32
    %ne3A_17 = vector.broadcast %ne3A : i32 to vector<60x128xi32>
    %ne3A_18 = arith.cmpi ne, %rem3A_16, %ne3A_17 : vector<60x128xi32>
    %lt3A = arith.constant 0 : i32
    %lt3A_19 = vector.broadcast %lt3A : i32 to vector<60x128xi32>
    %lt3A_20 = arith.cmpi slt, %rem3A_16, %lt3A_19 : vector<60x128xi32>
    %lt3A_21 = arith.constant 0 : i32
    %lt3A_22 = arith.cmpi slt, %select_n3A, %lt3A_21 : i32
    %ne3A_23 = vector.broadcast %lt3A_22 : i1 to vector<60x128xi1>
    %ne3A_24 = vector.broadcast %ne3A_23 : vector<60x128xi1> to vector<60x128xi1>
    %ne3A_25 = arith.xori %lt3A_20, %ne3A_24 : vector<60x128xi1>
    %and3A = arith.andi %ne3A_25, %ne3A_18 : vector<60x128xi1>
    %add3A_26 = vector.broadcast %select_n3A : i32 to vector<60x128xi32>
    %add3A_27 = arith.addi %rem3A_16, %add3A_26 : vector<60x128xi32>
    %select_n3A_28 = arith.select %and3A, %add3A_27, %rem3A_16 : vector<60x128xi1>, vector<60x128xi32>
    %concatenate3A = tpu.concatenate %add3A_13, %select_n3A_28 in 0 : vector<2500x128xi32>, vector<60x128xi32> -> vector<2560x128xi32>
    %reshape3A = vector.shape_cast %concatenate3A : vector<2560x128xi32> to vector<32x2x40x128xi32>
    %swap3A = arith.constant 0 : index
    %swap3A_29 = arith.constant 0 : index
    %swap3A_30 = arith.constant 0 : index
    %swap3A_31 = arith.constant 0 : index
    %swap3A_32 = vector.load %arg2[%swap3A, %swap3A_29, %swap3A_30, %swap3A_31] : memref<32x2x40x128xi32, #tpu.memory_space<vmem>>, vector<32x2x40x128xi32>
    tpu.vector_store %arg2[%swap3A, %swap3A_29, %swap3A_30, %swap3A_31], %reshape3A {strides = array<i32>} : memref<32x2x40x128xi32, #tpu.memory_space<vmem>>, vector<32x2x40x128xi32>,
    %get3A_33 = arith.constant 1 : index
    %get3A_34 = arith.constant 0 : index
    %get3A_35 = arith.constant 0 : index
    %get3A_36 = vector.load %arg0[%get3A_33, %get3A_34, %get3A_35] : memref<2x2500x128xi32, #tpu.memory_space<vmem>>, vector<1x2500x128xi32>
    %get3A_37 = vector.shape_cast %get3A_36 : vector<1x2500x128xi32> to vector<2500x128xi32>
    %jit3A_38 = arith.constant 640 : i32
    %eq3A_39 = arith.constant 0 : i32
    %eq3A_40 = arith.cmpi eq, %jit3A_38, %eq3A_39 : i32
    %jit3A_41 = arith.constant 1 : i32
    %select_n3A_42 = arith.select %eq3A_40, %jit3A_41, %jit3A_38 : i32
    %rem3A_43 = vector.broadcast %select_n3A_42 : i32 to vector<60x128xi32>
    %rem3A_44 = arith.remsi %add3A, %rem3A_43 : vector<60x128xi32>
    %ne3A_45 = arith.constant 0 : i32
    %ne3A_46 = vector.broadcast %ne3A_45 : i32 to vector<60x128xi32>
    %ne3A_47 = arith.cmpi ne, %rem3A_44, %ne3A_46 : vector<60x128xi32>
    %lt3A_48 = arith.constant 0 : i32
    %lt3A_49 = vector.broadcast %lt3A_48 : i32 to vector<60x128xi32>
    %lt3A_50 = arith.cmpi slt, %rem3A_44, %lt3A_49 : vector<60x128xi32>
    %lt3A_51 = arith.constant 0 : i32
    %lt3A_52 = arith.cmpi slt, %select_n3A_42, %lt3A_51 : i32
    %ne3A_53 = vector.broadcast %lt3A_52 : i1 to vector<60x128xi1>
    %ne3A_54 = vector.broadcast %ne3A_53 : vector<60x128xi1> to vector<60x128xi1>
    %ne3A_55 = arith.xori %lt3A_50, %ne3A_54 : vector<60x128xi1>
    %and3A_56 = arith.andi %ne3A_55, %ne3A_47 : vector<60x128xi1>
    %add3A_57 = vector.broadcast %select_n3A_42 : i32 to vector<60x128xi32>
    %add3A_58 = arith.addi %rem3A_44, %add3A_57 : vector<60x128xi32>
    %select_n3A_59 = arith.select %and3A_56, %add3A_58, %rem3A_44 : vector<60x128xi1>, vector<60x128xi32>
    %add3A_60 = arith.constant 10000 : i32
    %add3A_61 = vector.broadcast %add3A_60 : i32 to vector<60x128xi32>
    %add3A_62 = arith.addi %add3A_61, %select_n3A_59 : vector<60x128xi32>
    %concatenate3A_63 = tpu.concatenate %get3A_37, %add3A_62 in 0 : vector<2500x128xi32>, vector<60x128xi32> -> vector<2560x128xi32>
    %reshape3A_64 = vector.shape_cast %concatenate3A_63 : vector<2560x128xi32> to vector<32x2x40x128xi32>
    %swap3A_65 = arith.constant 0 : index
    %swap3A_66 = arith.constant 0 : index
    %swap3A_67 = arith.constant 0 : index
    %swap3A_68 = arith.constant 0 : index
    %swap3A_69 = vector.load %arg3[%swap3A_65, %swap3A_66, %swap3A_67, %swap3A_68] : memref<32x2x40x128xi32, #tpu.memory_space<vmem>>, vector<32x2x40x128xi32>
    tpu.vector_store %arg3[%swap3A_65, %swap3A_66, %swap3A_67, %swap3A_68], %reshape3A_64 {strides = array<i32>} : memref<32x2x40x128xi32, #tpu.memory_space<vmem>>, vector<32x2x40x128xi32>,
    return
  }
}

module attributes {stable_mosaic.version = 14 : i64} {
  func.func @_prep_body(%arg0: i32, %arg1: memref<1000x128xf32, #tpu.memory_space<vmem>>, %arg2: memref<8x4xf32, #tpu.memory_space<smem>>, %arg3: memref<4x128x128xf32, #tpu.memory_space<vmem>>, %arg4: memref<128x128xf32, #tpu.memory_space<vmem>>, %arg5: memref<1x128xf32, #tpu.memory_space<vmem>>, %arg6: memref<1000x8x128xf32, #tpu.memory_space<vmem>>, %arg7: memref<1000x128xf32, #tpu.memory_space<vmem>>) attributes {dimension_semantics = [#tpu.dimension_semantics<arbitrary>], iteration_bounds = array<i64: 10>, scalar_prefetch = 0 : i64, scratch_operands = 0 : i64, tpu.core_type = #tpu.core_type<tc>, window_params = [{transform_indices = @transform_0, window_bounds = array<i64: 1000, 128>}, {transform_indices = @transform_1, window_bounds = array<i64: 8, 4>}, {pipeline_mode = #tpu.pipeline_mode<synchronous>, transform_indices = @transform_2, window_bounds = array<i64: 4, 128, 128>}, {pipeline_mode = #tpu.pipeline_mode<synchronous>, transform_indices = @transform_3, window_bounds = array<i64: 128, 128>}, {pipeline_mode = #tpu.pipeline_mode<synchronous>, transform_indices = @transform_4, window_bounds = array<i64: 1, 128>}, {transform_indices = @transform_5, window_bounds = array<i64: 1000, 8, 128>}, {transform_indices = @transform_6, window_bounds = array<i64: 1000, 128>}]} {
    %get3A = arith.constant 0 : index
    %get3A_0 = arith.constant 0 : index
    %get3A_1 = vector.load %arg1[%get3A, %get3A_0] : memref<1000x128xf32, #tpu.memory_space<vmem>>, vector<1000x128xf32>
    %get3A_2 = arith.constant 0 : index
    %get3A_3 = arith.constant 0 : index
    %get3A_4 = arith.constant 0 : index
    %get3A_5 = vector.load %arg3[%get3A_2, %get3A_3, %get3A_4] : memref<4x128x128xf32, #tpu.memory_space<vmem>>, vector<4x128x128xf32>
    %get3A_6 = arith.constant 0 : index
    %get3A_7 = arith.constant 0 : index
    %get3A_8 = memref.load %arg2[%get3A_6, %get3A_7] : memref<8x4xf32, #tpu.memory_space<smem>>
    %slice3A = vector.extract_strided_slice %get3A_5 {offsets = [0, 0, 0], sizes = [1, 128, 128], strides = [1, 1, 1]} : vector<4x128x128xf32> to vector<1x128x128xf32>
    %squeeze3A = vector.shape_cast %slice3A : vector<1x128x128xf32> to vector<128x128xf32>
    %mul3A = vector.broadcast %get3A_8 : f32 to vector<128x128xf32>
    %mul3A_9 = arith.mulf %mul3A, %squeeze3A : vector<128x128xf32>
    %get3A_10 = arith.constant 0 : index
    %get3A_11 = arith.constant 1 : index
    %get3A_12 = memref.load %arg2[%get3A_10, %get3A_11] : memref<8x4xf32, #tpu.memory_space<smem>>
    %slice3A_13 = vector.extract_strided_slice %get3A_5 {offsets = [1, 0, 0], sizes = [1, 128, 128], strides = [1, 1, 1]} : vector<4x128x128xf32> to vector<1x128x128xf32>
    %squeeze3A_14 = vector.shape_cast %slice3A_13 : vector<1x128x128xf32> to vector<128x128xf32>
    %mul3A_15 = vector.broadcast %get3A_12 : f32 to vector<128x128xf32>
    %mul3A_16 = arith.mulf %mul3A_15, %squeeze3A_14 : vector<128x128xf32>
    %add3A = arith.addf %mul3A_9, %mul3A_16 : vector<128x128xf32>
    %get3A_17 = arith.constant 0 : index
    %get3A_18 = arith.constant 2 : index
    %get3A_19 = memref.load %arg2[%get3A_17, %get3A_18] : memref<8x4xf32, #tpu.memory_space<smem>>
    %slice3A_20 = vector.extract_strided_slice %get3A_5 {offsets = [2, 0, 0], sizes = [1, 128, 128], strides = [1, 1, 1]} : vector<4x128x128xf32> to vector<1x128x128xf32>
    %squeeze3A_21 = vector.shape_cast %slice3A_20 : vector<1x128x128xf32> to vector<128x128xf32>
    %mul3A_22 = vector.broadcast %get3A_19 : f32 to vector<128x128xf32>
    %mul3A_23 = arith.mulf %mul3A_22, %squeeze3A_21 : vector<128x128xf32>
    %add3A_24 = arith.addf %add3A, %mul3A_23 : vector<128x128xf32>
    %get3A_25 = arith.constant 0 : index
    %get3A_26 = arith.constant 3 : index
    %get3A_27 = memref.load %arg2[%get3A_25, %get3A_26] : memref<8x4xf32, #tpu.memory_space<smem>>
    %slice3A_28 = vector.extract_strided_slice %get3A_5 {offsets = [3, 0, 0], sizes = [1, 128, 128], strides = [1, 1, 1]} : vector<4x128x128xf32> to vector<1x128x128xf32>
    %squeeze3A_29 = vector.shape_cast %slice3A_28 : vector<1x128x128xf32> to vector<128x128xf32>
    %mul3A_30 = vector.broadcast %get3A_27 : f32 to vector<128x128xf32>
    %mul3A_31 = arith.mulf %mul3A_30, %squeeze3A_29 : vector<128x128xf32>
    %add3A_32 = arith.addf %add3A_24, %mul3A_31 : vector<128x128xf32>
    %get3A_33 = arith.constant 1 : index
    %get3A_34 = arith.constant 0 : index
    %get3A_35 = memref.load %arg2[%get3A_33, %get3A_34] : memref<8x4xf32, #tpu.memory_space<smem>>
    %slice3A_36 = vector.extract_strided_slice %get3A_5 {offsets = [0, 0, 0], sizes = [1, 128, 128], strides = [1, 1, 1]} : vector<4x128x128xf32> to vector<1x128x128xf32>
    %squeeze3A_37 = vector.shape_cast %slice3A_36 : vector<1x128x128xf32> to vector<128x128xf32>
    %mul3A_38 = vector.broadcast %get3A_35 : f32 to vector<128x128xf32>
    %mul3A_39 = arith.mulf %mul3A_38, %squeeze3A_37 : vector<128x128xf32>
    %get3A_40 = arith.constant 1 : index
    %get3A_41 = arith.constant 1 : index
    %get3A_42 = memref.load %arg2[%get3A_40, %get3A_41] : memref<8x4xf32, #tpu.memory_space<smem>>
    %slice3A_43 = vector.extract_strided_slice %get3A_5 {offsets = [1, 0, 0], sizes = [1, 128, 128], strides = [1, 1, 1]} : vector<4x128x128xf32> to vector<1x128x128xf32>
    %squeeze3A_44 = vector.shape_cast %slice3A_43 : vector<1x128x128xf32> to vector<128x128xf32>
    %mul3A_45 = vector.broadcast %get3A_42 : f32 to vector<128x128xf32>
    %mul3A_46 = arith.mulf %mul3A_45, %squeeze3A_44 : vector<128x128xf32>
    %add3A_47 = arith.addf %mul3A_39, %mul3A_46 : vector<128x128xf32>
    %get3A_48 = arith.constant 1 : index
    %get3A_49 = arith.constant 2 : index
    %get3A_50 = memref.load %arg2[%get3A_48, %get3A_49] : memref<8x4xf32, #tpu.memory_space<smem>>
    %slice3A_51 = vector.extract_strided_slice %get3A_5 {offsets = [2, 0, 0], sizes = [1, 128, 128], strides = [1, 1, 1]} : vector<4x128x128xf32> to vector<1x128x128xf32>
    %squeeze3A_52 = vector.shape_cast %slice3A_51 : vector<1x128x128xf32> to vector<128x128xf32>
    %mul3A_53 = vector.broadcast %get3A_50 : f32 to vector<128x128xf32>
    %mul3A_54 = arith.mulf %mul3A_53, %squeeze3A_52 : vector<128x128xf32>
    %add3A_55 = arith.addf %add3A_47, %mul3A_54 : vector<128x128xf32>
    %get3A_56 = arith.constant 1 : index
    %get3A_57 = arith.constant 3 : index
    %get3A_58 = memref.load %arg2[%get3A_56, %get3A_57] : memref<8x4xf32, #tpu.memory_space<smem>>
    %slice3A_59 = vector.extract_strided_slice %get3A_5 {offsets = [3, 0, 0], sizes = [1, 128, 128], strides = [1, 1, 1]} : vector<4x128x128xf32> to vector<1x128x128xf32>
    %squeeze3A_60 = vector.shape_cast %slice3A_59 : vector<1x128x128xf32> to vector<128x128xf32>
    %mul3A_61 = vector.broadcast %get3A_58 : f32 to vector<128x128xf32>
    %mul3A_62 = arith.mulf %mul3A_61, %squeeze3A_60 : vector<128x128xf32>
    %add3A_63 = arith.addf %add3A_55, %mul3A_62 : vector<128x128xf32>
    %get3A_64 = arith.constant 2 : index
    %get3A_65 = arith.constant 0 : index
    %get3A_66 = memref.load %arg2[%get3A_64, %get3A_65] : memref<8x4xf32, #tpu.memory_space<smem>>
    %slice3A_67 = vector.extract_strided_slice %get3A_5 {offsets = [0, 0, 0], sizes = [1, 128, 128], strides = [1, 1, 1]} : vector<4x128x128xf32> to vector<1x128x128xf32>
    %squeeze3A_68 = vector.shape_cast %slice3A_67 : vector<1x128x128xf32> to vector<128x128xf32>
    %mul3A_69 = vector.broadcast %get3A_66 : f32 to vector<128x128xf32>
    %mul3A_70 = arith.mulf %mul3A_69, %squeeze3A_68 : vector<128x128xf32>
    %get3A_71 = arith.constant 2 : index
    %get3A_72 = arith.constant 1 : index
    %get3A_73 = memref.load %arg2[%get3A_71, %get3A_72] : memref<8x4xf32, #tpu.memory_space<smem>>
    %slice3A_74 = vector.extract_strided_slice %get3A_5 {offsets = [1, 0, 0], sizes = [1, 128, 128], strides = [1, 1, 1]} : vector<4x128x128xf32> to vector<1x128x128xf32>
    %squeeze3A_75 = vector.shape_cast %slice3A_74 : vector<1x128x128xf32> to vector<128x128xf32>
    %mul3A_76 = vector.broadcast %get3A_73 : f32 to vector<128x128xf32>
    %mul3A_77 = arith.mulf %mul3A_76, %squeeze3A_75 : vector<128x128xf32>
    %add3A_78 = arith.addf %mul3A_70, %mul3A_77 : vector<128x128xf32>
    %get3A_79 = arith.constant 2 : index
    %get3A_80 = arith.constant 2 : index
    %get3A_81 = memref.load %arg2[%get3A_79, %get3A_80] : memref<8x4xf32, #tpu.memory_space<smem>>
    %slice3A_82 = vector.extract_strided_slice %get3A_5 {offsets = [2, 0, 0], sizes = [1, 128, 128], strides = [1, 1, 1]} : vector<4x128x128xf32> to vector<1x128x128xf32>
    %squeeze3A_83 = vector.shape_cast %slice3A_82 : vector<1x128x128xf32> to vector<128x128xf32>
    %mul3A_84 = vector.broadcast %get3A_81 : f32 to vector<128x128xf32>
    %mul3A_85 = arith.mulf %mul3A_84, %squeeze3A_83 : vector<128x128xf32>
    %add3A_86 = arith.addf %add3A_78, %mul3A_85 : vector<128x128xf32>
    %get3A_87 = arith.constant 2 : index
    %get3A_88 = arith.constant 3 : index
    %get3A_89 = memref.load %arg2[%get3A_87, %get3A_88] : memref<8x4xf32, #tpu.memory_space<smem>>
    %slice3A_90 = vector.extract_strided_slice %get3A_5 {offsets = [3, 0, 0], sizes = [1, 128, 128], strides = [1, 1, 1]} : vector<4x128x128xf32> to vector<1x128x128xf32>
    %squeeze3A_91 = vector.shape_cast %slice3A_90 : vector<1x128x128xf32> to vector<128x128xf32>
    %mul3A_92 = vector.broadcast %get3A_89 : f32 to vector<128x128xf32>
    %mul3A_93 = arith.mulf %mul3A_92, %squeeze3A_91 : vector<128x128xf32>
    %add3A_94 = arith.addf %add3A_86, %mul3A_93 : vector<128x128xf32>
    %get3A_95 = arith.constant 3 : index
    %get3A_96 = arith.constant 0 : index
    %get3A_97 = memref.load %arg2[%get3A_95, %get3A_96] : memref<8x4xf32, #tpu.memory_space<smem>>
    %slice3A_98 = vector.extract_strided_slice %get3A_5 {offsets = [0, 0, 0], sizes = [1, 128, 128], strides = [1, 1, 1]} : vector<4x128x128xf32> to vector<1x128x128xf32>
    %squeeze3A_99 = vector.shape_cast %slice3A_98 : vector<1x128x128xf32> to vector<128x128xf32>
    %mul3A_100 = vector.broadcast %get3A_97 : f32 to vector<128x128xf32>
    %mul3A_101 = arith.mulf %mul3A_100, %squeeze3A_99 : vector<128x128xf32>
    %get3A_102 = arith.constant 3 : index
    %get3A_103 = arith.constant 1 : index
    %get3A_104 = memref.load %arg2[%get3A_102, %get3A_103] : memref<8x4xf32, #tpu.memory_space<smem>>
    %slice3A_105 = vector.extract_strided_slice %get3A_5 {offsets = [1, 0, 0], sizes = [1, 128, 128], strides = [1, 1, 1]} : vector<4x128x128xf32> to vector<1x128x128xf32>
    %squeeze3A_106 = vector.shape_cast %slice3A_105 : vector<1x128x128xf32> to vector<128x128xf32>
    %mul3A_107 = vector.broadcast %get3A_104 : f32 to vector<128x128xf32>
    %mul3A_108 = arith.mulf %mul3A_107, %squeeze3A_106 : vector<128x128xf32>
    %add3A_109 = arith.addf %mul3A_101, %mul3A_108 : vector<128x128xf32>
    %get3A_110 = arith.constant 3 : index
    %get3A_111 = arith.constant 2 : index
    %get3A_112 = memref.load %arg2[%get3A_110, %get3A_111] : memref<8x4xf32, #tpu.memory_space<smem>>
    %slice3A_113 = vector.extract_strided_slice %get3A_5 {offsets = [2, 0, 0], sizes = [1, 128, 128], strides = [1, 1, 1]} : vector<4x128x128xf32> to vector<1x128x128xf32>
    %squeeze3A_114 = vector.shape_cast %slice3A_113 : vector<1x128x128xf32> to vector<128x128xf32>
    %mul3A_115 = vector.broadcast %get3A_112 : f32 to vector<128x128xf32>
    %mul3A_116 = arith.mulf %mul3A_115, %squeeze3A_114 : vector<128x128xf32>
    %add3A_117 = arith.addf %add3A_109, %mul3A_116 : vector<128x128xf32>
    %get3A_118 = arith.constant 3 : index
    %get3A_119 = arith.constant 3 : index
    %get3A_120 = memref.load %arg2[%get3A_118, %get3A_119] : memref<8x4xf32, #tpu.memory_space<smem>>
    %slice3A_121 = vector.extract_strided_slice %get3A_5 {offsets = [3, 0, 0], sizes = [1, 128, 128], strides = [1, 1, 1]} : vector<4x128x128xf32> to vector<1x128x128xf32>
    %squeeze3A_122 = vector.shape_cast %slice3A_121 : vector<1x128x128xf32> to vector<128x128xf32>
    %mul3A_123 = vector.broadcast %get3A_120 : f32 to vector<128x128xf32>
    %mul3A_124 = arith.mulf %mul3A_123, %squeeze3A_122 : vector<128x128xf32>
    %add3A_125 = arith.addf %add3A_117, %mul3A_124 : vector<128x128xf32>
    %get3A_126 = arith.constant 4 : index
    %get3A_127 = arith.constant 0 : index
    %get3A_128 = memref.load %arg2[%get3A_126, %get3A_127] : memref<8x4xf32, #tpu.memory_space<smem>>
    %slice3A_129 = vector.extract_strided_slice %get3A_5 {offsets = [0, 0, 0], sizes = [1, 128, 128], strides = [1, 1, 1]} : vector<4x128x128xf32> to vector<1x128x128xf32>
    %squeeze3A_130 = vector.shape_cast %slice3A_129 : vector<1x128x128xf32> to vector<128x128xf32>
    %mul3A_131 = vector.broadcast %get3A_128 : f32 to vector<128x128xf32>
    %mul3A_132 = arith.mulf %mul3A_131, %squeeze3A_130 : vector<128x128xf32>
    %get3A_133 = arith.constant 4 : index
    %get3A_134 = arith.constant 1 : index
    %get3A_135 = memref.load %arg2[%get3A_133, %get3A_134] : memref<8x4xf32, #tpu.memory_space<smem>>
    %slice3A_136 = vector.extract_strided_slice %get3A_5 {offsets = [1, 0, 0], sizes = [1, 128, 128], strides = [1, 1, 1]} : vector<4x128x128xf32> to vector<1x128x128xf32>
    %squeeze3A_137 = vector.shape_cast %slice3A_136 : vector<1x128x128xf32> to vector<128x128xf32>
    %mul3A_138 = vector.broadcast %get3A_135 : f32 to vector<128x128xf32>
    %mul3A_139 = arith.mulf %mul3A_138, %squeeze3A_137 : vector<128x128xf32>
    %add3A_140 = arith.addf %mul3A_132, %mul3A_139 : vector<128x128xf32>
    %get3A_141 = arith.constant 4 : index
    %get3A_142 = arith.constant 2 : index
    %get3A_143 = memref.load %arg2[%get3A_141, %get3A_142] : memref<8x4xf32, #tpu.memory_space<smem>>
    %slice3A_144 = vector.extract_strided_slice %get3A_5 {offsets = [2, 0, 0], sizes = [1, 128, 128], strides = [1, 1, 1]} : vector<4x128x128xf32> to vector<1x128x128xf32>
    %squeeze3A_145 = vector.shape_cast %slice3A_144 : vector<1x128x128xf32> to vector<128x128xf32>
    %mul3A_146 = vector.broadcast %get3A_143 : f32 to vector<128x128xf32>
    %mul3A_147 = arith.mulf %mul3A_146, %squeeze3A_145 : vector<128x128xf32>
    %add3A_148 = arith.addf %add3A_140, %mul3A_147 : vector<128x128xf32>
    %get3A_149 = arith.constant 4 : index
    %get3A_150 = arith.constant 3 : index
    %get3A_151 = memref.load %arg2[%get3A_149, %get3A_150] : memref<8x4xf32, #tpu.memory_space<smem>>
    %slice3A_152 = vector.extract_strided_slice %get3A_5 {offsets = [3, 0, 0], sizes = [1, 128, 128], strides = [1, 1, 1]} : vector<4x128x128xf32> to vector<1x128x128xf32>
    %squeeze3A_153 = vector.shape_cast %slice3A_152 : vector<1x128x128xf32> to vector<128x128xf32>
    %mul3A_154 = vector.broadcast %get3A_151 : f32 to vector<128x128xf32>
    %mul3A_155 = arith.mulf %mul3A_154, %squeeze3A_153 : vector<128x128xf32>
    %add3A_156 = arith.addf %add3A_148, %mul3A_155 : vector<128x128xf32>
    %get3A_157 = arith.constant 5 : index
    %get3A_158 = arith.constant 0 : index
    %get3A_159 = memref.load %arg2[%get3A_157, %get3A_158] : memref<8x4xf32, #tpu.memory_space<smem>>
    %slice3A_160 = vector.extract_strided_slice %get3A_5 {offsets = [0, 0, 0], sizes = [1, 128, 128], strides = [1, 1, 1]} : vector<4x128x128xf32> to vector<1x128x128xf32>
    %squeeze3A_161 = vector.shape_cast %slice3A_160 : vector<1x128x128xf32> to vector<128x128xf32>
    %mul3A_162 = vector.broadcast %get3A_159 : f32 to vector<128x128xf32>
    %mul3A_163 = arith.mulf %mul3A_162, %squeeze3A_161 : vector<128x128xf32>
    %get3A_164 = arith.constant 5 : index
    %get3A_165 = arith.constant 1 : index
    %get3A_166 = memref.load %arg2[%get3A_164, %get3A_165] : memref<8x4xf32, #tpu.memory_space<smem>>
    %slice3A_167 = vector.extract_strided_slice %get3A_5 {offsets = [1, 0, 0], sizes = [1, 128, 128], strides = [1, 1, 1]} : vector<4x128x128xf32> to vector<1x128x128xf32>
    %squeeze3A_168 = vector.shape_cast %slice3A_167 : vector<1x128x128xf32> to vector<128x128xf32>
    %mul3A_169 = vector.broadcast %get3A_166 : f32 to vector<128x128xf32>
    %mul3A_170 = arith.mulf %mul3A_169, %squeeze3A_168 : vector<128x128xf32>
    %add3A_171 = arith.addf %mul3A_163, %mul3A_170 : vector<128x128xf32>
    %get3A_172 = arith.constant 5 : index
    %get3A_173 = arith.constant 2 : index
    %get3A_174 = memref.load %arg2[%get3A_172, %get3A_173] : memref<8x4xf32, #tpu.memory_space<smem>>
    %slice3A_175 = vector.extract_strided_slice %get3A_5 {offsets = [2, 0, 0], sizes = [1, 128, 128], strides = [1, 1, 1]} : vector<4x128x128xf32> to vector<1x128x128xf32>
    %squeeze3A_176 = vector.shape_cast %slice3A_175 : vector<1x128x128xf32> to vector<128x128xf32>
    %mul3A_177 = vector.broadcast %get3A_174 : f32 to vector<128x128xf32>
    %mul3A_178 = arith.mulf %mul3A_177, %squeeze3A_176 : vector<128x128xf32>
    %add3A_179 = arith.addf %add3A_171, %mul3A_178 : vector<128x128xf32>
    %get3A_180 = arith.constant 5 : index
    %get3A_181 = arith.constant 3 : index
    %get3A_182 = memref.load %arg2[%get3A_180, %get3A_181] : memref<8x4xf32, #tpu.memory_space<smem>>
    %slice3A_183 = vector.extract_strided_slice %get3A_5 {offsets = [3, 0, 0], sizes = [1, 128, 128], strides = [1, 1, 1]} : vector<4x128x128xf32> to vector<1x128x128xf32>
    %squeeze3A_184 = vector.shape_cast %slice3A_183 : vector<1x128x128xf32> to vector<128x128xf32>
    %mul3A_185 = vector.broadcast %get3A_182 : f32 to vector<128x128xf32>
    %mul3A_186 = arith.mulf %mul3A_185, %squeeze3A_184 : vector<128x128xf32>
    %add3A_187 = arith.addf %add3A_179, %mul3A_186 : vector<128x128xf32>
    %get3A_188 = arith.constant 6 : index
    %get3A_189 = arith.constant 0 : index
    %get3A_190 = memref.load %arg2[%get3A_188, %get3A_189] : memref<8x4xf32, #tpu.memory_space<smem>>
    %slice3A_191 = vector.extract_strided_slice %get3A_5 {offsets = [0, 0, 0], sizes = [1, 128, 128], strides = [1, 1, 1]} : vector<4x128x128xf32> to vector<1x128x128xf32>
    %squeeze3A_192 = vector.shape_cast %slice3A_191 : vector<1x128x128xf32> to vector<128x128xf32>
    %mul3A_193 = vector.broadcast %get3A_190 : f32 to vector<128x128xf32>
    %mul3A_194 = arith.mulf %mul3A_193, %squeeze3A_192 : vector<128x128xf32>
    %get3A_195 = arith.constant 6 : index
    %get3A_196 = arith.constant 1 : index
    %get3A_197 = memref.load %arg2[%get3A_195, %get3A_196] : memref<8x4xf32, #tpu.memory_space<smem>>
    %slice3A_198 = vector.extract_strided_slice %get3A_5 {offsets = [1, 0, 0], sizes = [1, 128, 128], strides = [1, 1, 1]} : vector<4x128x128xf32> to vector<1x128x128xf32>
    %squeeze3A_199 = vector.shape_cast %slice3A_198 : vector<1x128x128xf32> to vector<128x128xf32>
    %mul3A_200 = vector.broadcast %get3A_197 : f32 to vector<128x128xf32>
    %mul3A_201 = arith.mulf %mul3A_200, %squeeze3A_199 : vector<128x128xf32>
    %add3A_202 = arith.addf %mul3A_194, %mul3A_201 : vector<128x128xf32>
    %get3A_203 = arith.constant 6 : index
    %get3A_204 = arith.constant 2 : index
    %get3A_205 = memref.load %arg2[%get3A_203, %get3A_204] : memref<8x4xf32, #tpu.memory_space<smem>>
    %slice3A_206 = vector.extract_strided_slice %get3A_5 {offsets = [2, 0, 0], sizes = [1, 128, 128], strides = [1, 1, 1]} : vector<4x128x128xf32> to vector<1x128x128xf32>
    %squeeze3A_207 = vector.shape_cast %slice3A_206 : vector<1x128x128xf32> to vector<128x128xf32>
    %mul3A_208 = vector.broadcast %get3A_205 : f32 to vector<128x128xf32>
    %mul3A_209 = arith.mulf %mul3A_208, %squeeze3A_207 : vector<128x128xf32>
    %add3A_210 = arith.addf %add3A_202, %mul3A_209 : vector<128x128xf32>
    %get3A_211 = arith.constant 6 : index
    %get3A_212 = arith.constant 3 : index
    %get3A_213 = memref.load %arg2[%get3A_211, %get3A_212] : memref<8x4xf32, #tpu.memory_space<smem>>
    %slice3A_214 = vector.extract_strided_slice %get3A_5 {offsets = [3, 0, 0], sizes = [1, 128, 128], strides = [1, 1, 1]} : vector<4x128x128xf32> to vector<1x128x128xf32>
    %squeeze3A_215 = vector.shape_cast %slice3A_214 : vector<1x128x128xf32> to vector<128x128xf32>
    %mul3A_216 = vector.broadcast %get3A_213 : f32 to vector<128x128xf32>
    %mul3A_217 = arith.mulf %mul3A_216, %squeeze3A_215 : vector<128x128xf32>
    %add3A_218 = arith.addf %add3A_210, %mul3A_217 : vector<128x128xf32>
    %get3A_219 = arith.constant 7 : index
    %get3A_220 = arith.constant 0 : index
    %get3A_221 = memref.load %arg2[%get3A_219, %get3A_220] : memref<8x4xf32, #tpu.memory_space<smem>>
    %slice3A_222 = vector.extract_strided_slice %get3A_5 {offsets = [0, 0, 0], sizes = [1, 128, 128], strides = [1, 1, 1]} : vector<4x128x128xf32> to vector<1x128x128xf32>
    %squeeze3A_223 = vector.shape_cast %slice3A_222 : vector<1x128x128xf32> to vector<128x128xf32>
    %mul3A_224 = vector.broadcast %get3A_221 : f32 to vector<128x128xf32>
    %mul3A_225 = arith.mulf %mul3A_224, %squeeze3A_223 : vector<128x128xf32>
    %get3A_226 = arith.constant 7 : index
    %get3A_227 = arith.constant 1 : index
    %get3A_228 = memref.load %arg2[%get3A_226, %get3A_227] : memref<8x4xf32, #tpu.memory_space<smem>>
    %slice3A_229 = vector.extract_strided_slice %get3A_5 {offsets = [1, 0, 0], sizes = [1, 128, 128], strides = [1, 1, 1]} : vector<4x128x128xf32> to vector<1x128x128xf32>
    %squeeze3A_230 = vector.shape_cast %slice3A_229 : vector<1x128x128xf32> to vector<128x128xf32>
    %mul3A_231 = vector.broadcast %get3A_228 : f32 to vector<128x128xf32>
    %mul3A_232 = arith.mulf %mul3A_231, %squeeze3A_230 : vector<128x128xf32>
    %add3A_233 = arith.addf %mul3A_225, %mul3A_232 : vector<128x128xf32>
    %get3A_234 = arith.constant 7 : index
    %get3A_235 = arith.constant 2 : index
    %get3A_236 = memref.load %arg2[%get3A_234, %get3A_235] : memref<8x4xf32, #tpu.memory_space<smem>>
    %slice3A_237 = vector.extract_strided_slice %get3A_5 {offsets = [2, 0, 0], sizes = [1, 128, 128], strides = [1, 1, 1]} : vector<4x128x128xf32> to vector<1x128x128xf32>
    %squeeze3A_238 = vector.shape_cast %slice3A_237 : vector<1x128x128xf32> to vector<128x128xf32>
    %mul3A_239 = vector.broadcast %get3A_236 : f32 to vector<128x128xf32>
    %mul3A_240 = arith.mulf %mul3A_239, %squeeze3A_238 : vector<128x128xf32>
    %add3A_241 = arith.addf %add3A_233, %mul3A_240 : vector<128x128xf32>
    %get3A_242 = arith.constant 7 : index
    %get3A_243 = arith.constant 3 : index
    %get3A_244 = memref.load %arg2[%get3A_242, %get3A_243] : memref<8x4xf32, #tpu.memory_space<smem>>
    %slice3A_245 = vector.extract_strided_slice %get3A_5 {offsets = [3, 0, 0], sizes = [1, 128, 128], strides = [1, 1, 1]} : vector<4x128x128xf32> to vector<1x128x128xf32>
    %squeeze3A_246 = vector.shape_cast %slice3A_245 : vector<1x128x128xf32> to vector<128x128xf32>
    %mul3A_247 = vector.broadcast %get3A_244 : f32 to vector<128x128xf32>
    %mul3A_248 = arith.mulf %mul3A_247, %squeeze3A_246 : vector<128x128xf32>
    %add3A_249 = arith.addf %add3A_241, %mul3A_248 : vector<128x128xf32>
    %get3A_250 = arith.constant 0 : index
    %get3A_251 = arith.constant 0 : index
    %get3A_252 = vector.load %arg4[%get3A_250, %get3A_251] : memref<128x128xf32, #tpu.memory_space<vmem>>, vector<128x128xf32>
    %concatenate3A = tpu.concatenate %add3A_32, %add3A_63, %add3A_94, %add3A_125, %add3A_156, %add3A_187, %add3A_218, %add3A_249, %get3A_252 in 1 : vector<128x128xf32>, vector<128x128xf32>, vector<128x128xf32>, vector<128x128xf32>, vector<128x128xf32>, vector<128x128xf32>, vector<128x128xf32>, vector<128x128xf32>, vector<128x128xf32> -> vector<128x1152xf32>
    %convert_element_type3A = arith.truncf %get3A_1 : vector<1000x128xf32> to vector<1000x128xbf16>
    %convert_element_type3A_253 = arith.truncf %concatenate3A : vector<128x1152xf32> to vector<128x1152xbf16>
    %dot_general3A = arith.constant dense<0.000000e+00> : vector<1000x1152xf32>
    %dot_general3A_254 = tpu.matmul %convert_element_type3A, %convert_element_type3A_253, %dot_general3A {dimension_numbers = #tpu.dot_dimension_numbers<[1], [0], [0], [1], [0, 0, 1, 1], [], []>, transpose_lhs_hint = false} : vector<1000x128xbf16>, vector<128x1152xbf16>, vector<1000x1152xf32> -> vector<1000x1152xf32>
    %slice3A_255 = vector.extract_strided_slice %dot_general3A_254 {offsets = [0, 0], sizes = [1000, 128], strides = [1, 1]} : vector<1000x1152xf32> to vector<1000x128xf32>
    %swap3A = arith.constant 0 : index
    %swap3A_256 = arith.constant 0 : index
    %swap3A_257 = arith.constant 0 : index
    %swap3A_258 = vector.load %arg6[%swap3A, %swap3A_256, %swap3A_257] : memref<1000x8x128xf32, #tpu.memory_space<vmem>>, vector<1000x1x128xf32>
    %swap3A_259 = vector.shape_cast %swap3A_258 : vector<1000x1x128xf32> to vector<1000x128xf32>
    %swap3A_260 = vector.shape_cast %slice3A_255 : vector<1000x128xf32> to vector<1000x1x128xf32>
    tpu.vector_store %arg6[%swap3A, %swap3A_256, %swap3A_257], %swap3A_260 {strides = array<i32>} : memref<1000x8x128xf32, #tpu.memory_space<vmem>>, vector<1000x1x128xf32>,
    %slice3A_261 = vector.extract_strided_slice %dot_general3A_254 {offsets = [0, 128], sizes = [1000, 128], strides = [1, 1]} : vector<1000x1152xf32> to vector<1000x128xf32>
    %swap3A_262 = arith.constant 0 : index
    %swap3A_263 = arith.constant 1 : index
    %swap3A_264 = arith.constant 0 : index
    %swap3A_265 = vector.load %arg6[%swap3A_262, %swap3A_263, %swap3A_264] : memref<1000x8x128xf32, #tpu.memory_space<vmem>>, vector<1000x1x128xf32>
    %swap3A_266 = vector.shape_cast %swap3A_265 : vector<1000x1x128xf32> to vector<1000x128xf32>
    %swap3A_267 = vector.shape_cast %slice3A_261 : vector<1000x128xf32> to vector<1000x1x128xf32>
    tpu.vector_store %arg6[%swap3A_262, %swap3A_263, %swap3A_264], %swap3A_267 {strides = array<i32>} : memref<1000x8x128xf32, #tpu.memory_space<vmem>>, vector<1000x1x128xf32>,
    %slice3A_268 = vector.extract_strided_slice %dot_general3A_254 {offsets = [0, 256], sizes = [1000, 128], strides = [1, 1]} : vector<1000x1152xf32> to vector<1000x128xf32>
    %swap3A_269 = arith.constant 0 : index
    %swap3A_270 = arith.constant 2 : index
    %swap3A_271 = arith.constant 0 : index
    %swap3A_272 = vector.load %arg6[%swap3A_269, %swap3A_270, %swap3A_271] : memref<1000x8x128xf32, #tpu.memory_space<vmem>>, vector<1000x1x128xf32>
    %swap3A_273 = vector.shape_cast %swap3A_272 : vector<1000x1x128xf32> to vector<1000x128xf32>
    %swap3A_274 = vector.shape_cast %slice3A_268 : vector<1000x128xf32> to vector<1000x1x128xf32>
    tpu.vector_store %arg6[%swap3A_269, %swap3A_270, %swap3A_271], %swap3A_274 {strides = array<i32>} : memref<1000x8x128xf32, #tpu.memory_space<vmem>>, vector<1000x1x128xf32>,
    %slice3A_275 = vector.extract_strided_slice %dot_general3A_254 {offsets = [0, 384], sizes = [1000, 128], strides = [1, 1]} : vector<1000x1152xf32> to vector<1000x128xf32>
    %swap3A_276 = arith.constant 0 : index
    %swap3A_277 = arith.constant 3 : index
    %swap3A_278 = arith.constant 0 : index
    %swap3A_279 = vector.load %arg6[%swap3A_276, %swap3A_277, %swap3A_278] : memref<1000x8x128xf32, #tpu.memory_space<vmem>>, vector<1000x1x128xf32>
    %swap3A_280 = vector.shape_cast %swap3A_279 : vector<1000x1x128xf32> to vector<1000x128xf32>
    %swap3A_281 = vector.shape_cast %slice3A_275 : vector<1000x128xf32> to vector<1000x1x128xf32>
    tpu.vector_store %arg6[%swap3A_276, %swap3A_277, %swap3A_278], %swap3A_281 {strides = array<i32>} : memref<1000x8x128xf32, #tpu.memory_space<vmem>>, vector<1000x1x128xf32>,
    %slice3A_282 = vector.extract_strided_slice %dot_general3A_254 {offsets = [0, 512], sizes = [1000, 128], strides = [1, 1]} : vector<1000x1152xf32> to vector<1000x128xf32>
    %swap3A_283 = arith.constant 0 : index
    %swap3A_284 = arith.constant 4 : index
    %swap3A_285 = arith.constant 0 : index
    %swap3A_286 = vector.load %arg6[%swap3A_283, %swap3A_284, %swap3A_285] : memref<1000x8x128xf32, #tpu.memory_space<vmem>>, vector<1000x1x128xf32>
    %swap3A_287 = vector.shape_cast %swap3A_286 : vector<1000x1x128xf32> to vector<1000x128xf32>
    %swap3A_288 = vector.shape_cast %slice3A_282 : vector<1000x128xf32> to vector<1000x1x128xf32>
    tpu.vector_store %arg6[%swap3A_283, %swap3A_284, %swap3A_285], %swap3A_288 {strides = array<i32>} : memref<1000x8x128xf32, #tpu.memory_space<vmem>>, vector<1000x1x128xf32>,
    %slice3A_289 = vector.extract_strided_slice %dot_general3A_254 {offsets = [0, 640], sizes = [1000, 128], strides = [1, 1]} : vector<1000x1152xf32> to vector<1000x128xf32>
    %swap3A_290 = arith.constant 0 : index
    %swap3A_291 = arith.constant 5 : index
    %swap3A_292 = arith.constant 0 : index
    %swap3A_293 = vector.load %arg6[%swap3A_290, %swap3A_291, %swap3A_292] : memref<1000x8x128xf32, #tpu.memory_space<vmem>>, vector<1000x1x128xf32>
    %swap3A_294 = vector.shape_cast %swap3A_293 : vector<1000x1x128xf32> to vector<1000x128xf32>
    %swap3A_295 = vector.shape_cast %slice3A_289 : vector<1000x128xf32> to vector<1000x1x128xf32>
    tpu.vector_store %arg6[%swap3A_290, %swap3A_291, %swap3A_292], %swap3A_295 {strides = array<i32>} : memref<1000x8x128xf32, #tpu.memory_space<vmem>>, vector<1000x1x128xf32>,
    %slice3A_296 = vector.extract_strided_slice %dot_general3A_254 {offsets = [0, 768], sizes = [1000, 128], strides = [1, 1]} : vector<1000x1152xf32> to vector<1000x128xf32>
    %swap3A_297 = arith.constant 0 : index
    %swap3A_298 = arith.constant 6 : index
    %swap3A_299 = arith.constant 0 : index
    %swap3A_300 = vector.load %arg6[%swap3A_297, %swap3A_298, %swap3A_299] : memref<1000x8x128xf32, #tpu.memory_space<vmem>>, vector<1000x1x128xf32>
    %swap3A_301 = vector.shape_cast %swap3A_300 : vector<1000x1x128xf32> to vector<1000x128xf32>
    %swap3A_302 = vector.shape_cast %slice3A_296 : vector<1000x128xf32> to vector<1000x1x128xf32>
    tpu.vector_store %arg6[%swap3A_297, %swap3A_298, %swap3A_299], %swap3A_302 {strides = array<i32>} : memref<1000x8x128xf32, #tpu.memory_space<vmem>>, vector<1000x1x128xf32>,
    %slice3A_303 = vector.extract_strided_slice %dot_general3A_254 {offsets = [0, 896], sizes = [1000, 128], strides = [1, 1]} : vector<1000x1152xf32> to vector<1000x128xf32>
    %swap3A_304 = arith.constant 0 : index
    %swap3A_305 = arith.constant 7 : index
    %swap3A_306 = arith.constant 0 : index
    %swap3A_307 = vector.load %arg6[%swap3A_304, %swap3A_305, %swap3A_306] : memref<1000x8x128xf32, #tpu.memory_space<vmem>>, vector<1000x1x128xf32>
    %swap3A_308 = vector.shape_cast %swap3A_307 : vector<1000x1x128xf32> to vector<1000x128xf32>
    %swap3A_309 = vector.shape_cast %slice3A_303 : vector<1000x128xf32> to vector<1000x1x128xf32>
    tpu.vector_store %arg6[%swap3A_304, %swap3A_305, %swap3A_306], %swap3A_309 {strides = array<i32>} : memref<1000x8x128xf32, #tpu.memory_space<vmem>>, vector<1000x1x128xf32>,
    %slice3A_310 = vector.extract_strided_slice %dot_general3A_254 {offsets = [0, 1024], sizes = [1000, 128], strides = [1, 1]} : vector<1000x1152xf32> to vector<1000x128xf32>
    %get3A_311 = arith.constant 0 : index
    %get3A_312 = arith.constant 0 : index
    %get3A_313 = vector.load %arg5[%get3A_311, %get3A_312] : memref<1x128xf32, #tpu.memory_space<vmem>>, vector<1x128xf32>
    %add3A_314 = vector.broadcast %get3A_313 : vector<1x128xf32> to vector<1000x128xf32>
    %add3A_315 = arith.addf %slice3A_310, %add3A_314 : vector<1000x128xf32>
    %swap3A_316 = arith.constant 0 : index
    %swap3A_317 = arith.constant 0 : index
    %swap3A_318 = vector.load %arg7[%swap3A_316, %swap3A_317] : memref<1000x128xf32, #tpu.memory_space<vmem>>, vector<1000x128xf32>
    tpu.vector_store %arg7[%swap3A_316, %swap3A_317], %add3A_315 {strides = array<i32>} : memref<1000x128xf32, #tpu.memory_space<vmem>>, vector<1000x128xf32>,
    return
  }
  func.func @transform_0(%arg0: i32) -> (i32, i32) {
    %c0_i32 = arith.constant 0 : i32
    %c0_i32_0 = arith.constant 0 : i32
    return %arg0, %c0_i32 : i32, i32
  }
  func.func @transform_1(%arg0: i32) -> (i32, i32) {
    %c0_i32 = arith.constant 0 : i32
    %c0_i32_0 = arith.constant 0 : i32
    %c0_i32_1 = arith.constant 0 : i32
    return %c0_i32, %c0_i32_0 : i32, i32
  }
  func.func @transform_2(%arg0: i32) -> (i32, i32, i32) {
    %c0_i32 = arith.constant 0 : i32
    %c0_i32_0 = arith.constant 0 : i32
    %c0_i32_1 = arith.constant 0 : i32
    %c0_i32_2 = arith.constant 0 : i32
    return %c0_i32, %c0_i32_0, %c0_i32_1 : i32, i32, i32
  }
  func.func @transform_3(%arg0: i32) -> (i32, i32) {
    %c0_i32 = arith.constant 0 : i32
    %c0_i32_0 = arith.constant 0 : i32
    %c0_i32_1 = arith.constant 0 : i32
    return %c0_i32, %c0_i32_0 : i32, i32
  }
  func.func @transform_4(%arg0: i32) -> (i32, i32) {
    %c0_i32 = arith.constant 0 : i32
    %c0_i32_0 = arith.constant 0 : i32
    %c0_i32_1 = arith.constant 0 : i32
    return %c0_i32, %c0_i32_0 : i32, i32
  }
  func.func @transform_5(%arg0: i32) -> (i32, i32, i32) {
    %c0_i32 = arith.constant 0 : i32
    %c0_i32_0 = arith.constant 0 : i32
    %c0_i32_1 = arith.constant 0 : i32
    return %arg0, %c0_i32, %c0_i32_0 : i32, i32, i32
  }
  func.func @transform_6(%arg0: i32) -> (i32, i32) {
    %c0_i32 = arith.constant 0 : i32
    %c0_i32_0 = arith.constant 0 : i32
    return %arg0, %c0_i32 : i32, i32
  }
}

module attributes {stable_mosaic.version = 14 : i64} {
  func.func @_final_body(%arg0: i32, %arg1: memref<2x2000x128xf32, #tpu.memory_space<vmem>>, %arg2: memref<2000x128xf32, #tpu.memory_space<vmem>>, %arg3: memref<2000x128xf32, #tpu.memory_space<vmem>>) attributes {dimension_semantics = [#tpu.dimension_semantics<arbitrary>], iteration_bounds = array<i64: 5>, scalar_prefetch = 0 : i64, scratch_operands = 0 : i64, tpu.core_type = #tpu.core_type<tc>, window_params = [{transform_indices = @transform_0, window_bounds = array<i64: 2, 2000, 128>}, {transform_indices = @transform_1, window_bounds = array<i64: 2000, 128>}, {transform_indices = @transform_2, window_bounds = array<i64: 2000, 128>}]} {
    %get3A = arith.constant 0 : index
    %get3A_0 = arith.constant 0 : index
    %get3A_1 = arith.constant 0 : index
    %get3A_2 = vector.load %arg1[%get3A, %get3A_0, %get3A_1] : memref<2x2000x128xf32, #tpu.memory_space<vmem>>, vector<1x2000x128xf32>
    %get3A_3 = vector.shape_cast %get3A_2 : vector<1x2000x128xf32> to vector<2000x128xf32>
    %get3A_4 = arith.constant 1 : index
    %get3A_5 = arith.constant 0 : index
    %get3A_6 = arith.constant 0 : index
    %get3A_7 = vector.load %arg1[%get3A_4, %get3A_5, %get3A_6] : memref<2x2000x128xf32, #tpu.memory_space<vmem>>, vector<1x2000x128xf32>
    %get3A_8 = vector.shape_cast %get3A_7 : vector<1x2000x128xf32> to vector<2000x128xf32>
    %add3A = arith.addf %get3A_3, %get3A_8 : vector<2000x128xf32>
    %get3A_9 = arith.constant 0 : index
    %get3A_10 = arith.constant 0 : index
    %get3A_11 = vector.load %arg2[%get3A_9, %get3A_10] : memref<2000x128xf32, #tpu.memory_space<vmem>>, vector<2000x128xf32>
    %add3A_12 = arith.addf %add3A, %get3A_11 : vector<2000x128xf32>
    %swap3A = arith.constant 0 : index
    %swap3A_13 = arith.constant 0 : index
    %swap3A_14 = vector.load %arg3[%swap3A, %swap3A_13] : memref<2000x128xf32, #tpu.memory_space<vmem>>, vector<2000x128xf32>
    tpu.vector_store %arg3[%swap3A, %swap3A_13], %add3A_12 {strides = array<i32>} : memref<2000x128xf32, #tpu.memory_space<vmem>>, vector<2000x128xf32>,
    return
  }
  func.func @transform_0(%arg0: i32) -> (i32, i32, i32) {
    %c0_i32 = arith.constant 0 : i32
    %c0_i32_0 = arith.constant 0 : i32
    %c0_i32_1 = arith.constant 0 : i32
    return %c0_i32, %arg0, %c0_i32_0 : i32, i32, i32
  }
  func.func @transform_1(%arg0: i32) -> (i32, i32) {
    %c0_i32 = arith.constant 0 : i32
    %c0_i32_0 = arith.constant 0 : i32
    return %arg0, %c0_i32 : i32, i32
  }
  func.func @transform_2(%arg0: i32) -> (i32, i32) {
    %c0_i32 = arith.constant 0 : i32
    %c0_i32_0 = arith.constant 0 : i32
    return %arg0, %c0_i32 : i32, i32
  }
}

</mosaic_0001>

<sc_bundles>
// kernel: kernel.6.cloned.1.call-start
scs
__scs_entry_jumppad:
0x0: {  	(pc) =	sbr.rel $0x88, $3  }
0x1: {  	(tag) =	ssettag $0x0;
	lr =	simm.s32 $0x1  }
0x2: {  	[smem:$0x3F9A] =	sst lr;
	_ =	strace $0xD0000000  }
0x3: {  	_ = 	snop  }
0x4: {  	_ = 	snop  }
0x5: {  	_ = 	snop  }
0x6: {  	_ = 	snop  }
0x7: {  	_ = 	snop  }
__scs_overlays_trampoline_lowered:
0x8: {  	[smem:$0x3FA9] =	sst s0  }
0x9: {  	[smem:$0x3FAA] =	sst s1  }
0xa: {  	[smem:$0x3FAB] =	sst s2  }
0xb: {  	[smem:$0x3FAC] =	sst s3  }
0xc: {  	[smem:$0x3FAD] =	sst s4  }
0xd: {  	[smem:$0x3FAE] =	sst s5  }
0xe: {  	[smem:$0x3FAF] =	sst s6  }
0xf: {  	[smem:$0x3FB0] =	sst s7  }
0x10: {  	[smem:$0x3FB1] =	sst s8  }
0x11: {  	[smem:$0x3FB2] =	sst s9;
	s0 =	simm.s32 @!p0 $0x0  }
0x12: {  	s1 =	sld [smem:$0x3F98];
	s0 =	simm.s32 @p0 $0x1  }
0x13: {  	[smem:$0x3FB3] =	sst s0;
	s0 =	simm.s32 @!p1 $0x0  }
0x14: {  	s2 =	sld [smem:$0x3F97];
	s0 =	simm.s32 @p1 $0x1  }
0x15: {  	[smem:$0x3FB4] =	sst s0;
	s0 =	simm.s32 @!p2 $0x0  }
0x16: {  	s3 =	sld [smem:$0x3FDB];
	s0 =	simm.s32 @p2 $0x1  }
0x17: {  	s4 =	simm.s32 $0x1BF5;
	[smem:$0x3FB6] =	sst s0  }
0x18: {  	s0 =	sld [smem:$0x3F99];
	_ =	swait.ge [sflag:s4], $0x0  }
0x19: {  	s7 =	sld [smem:$0x3F9A]  }
0x1a: {  	s8 =	sadd.s32 $0xFFFFE003, lr  }
0x1b: {  	s9 =	sadd.s32 $0xFFFFFEF7, lr;
	s5 =	simm.s32 $0xFFFFFFFF;
	p2 =	slt.u32 s8, $0xFFFFF086  }
0x1c: {  	p1 =	slt.u32 s9, $0xF7A;
	s5 =	simm.s32 @!p2 $0x0  }
0x1d: {  	s5 =	simm.s32 @p1 $0x1;
	p0 =	seq.s32 s7, s2  }
0x1e: {  	s7 =	smul.u32 @!p0 $0xF7A, s2;
	p2 =	seq.s32 @!p0 s5, $0x0  }
0x1f: {  	s9 =	smul.u32 $0xF7A, s1;
	s8 =	simm.s32 @!p0 $0x1BF5;
	p2 =	por !p2, p0  }
0x20: {  	[sflag:s8] =	ssyncset.s32 @!p0 $0xFFFFF086;
	s6 =	sadd.s32 @!p0 s3, s7;
	s7 =	simm.s32 @!p0 $0x108  }
0x21: {  	s3 =	sadd.s32 s3, s9;
	s6 =	sadd.s32 @!p0 $0x88, s6;
	s7 =	simm.s32 @p2 $0x1082  }
0x22: {  	[simem:s7], [sflag:s8] =	dma.local @!p0 [hbm:s6], $0xF7A  }
0x23: {  	s9 =	sor.u32 $0xD0000000, s2;
	s6 =	simm.s32 $0x108;
	_ =	swait.ge @!p0 [sflag:s8], $0x0  }
0x24: {  	s3 =	sadd.s32 $0x88, s3;
	s6 =	simm.s32 @!p1 $0x1082;
	[sflag:s4] =	ssyncset.s32 $0xFFFFF086  }
0x25: {  	[simem:s6], [sflag:s4] =	dma.local [hbm:s3], $0xF7A  }
0x26: {  	[smem:$0x3F9A] =	sst s1;
	(tag) =	ssettag s2;
	_ =	strace s9  }
0x27: {  	s1 =	sld [smem:$0x3FAA]  }
0x28: {  	s2 =	sld [smem:$0x3FAB]  }
0x29: {  	s4 =	sld [smem:$0x3FAD]  }
0x2a: {  	p0 =	seq.s32 s5, $0x0;
	s5 =	sld [smem:$0x3FAE]  }
0x2b: {  	s6 =	sld [smem:$0x3FAF]  }
0x2c: {  	s7 =	sld [smem:$0x3FB0]  }
0x2d: {  	s3 =	simm.s32 $0x108;
	s8 =	sld [smem:$0x3FB1]  }
0x2e: {  	s3 =	simm.s32 @!p0 $0x1082;
	s9 =	sld [smem:$0x3FB2]  }
0x2f: {  	lr =	sadd.s32 s0, s3;
	s0 =	sld [smem:$0x3FA9]  }
0x30: {  	s3 =	sld [smem:$0x3FAC]  }
0x31: {  	[smem:$0x3FB5] =	sst s10  }
0x32: {  	s10 =	sld [smem:$0x3FB3];
	_ =	sdelay $0x3  }
0x33: {  	p0 =	seq.s32 s10, $0x1;
	s10 =	sld [smem:$0x3FB5];
	_ =	sdelay $0x3  }
0x34: {  	[smem:$0x3FB5] =	sst s10  }
0x35: {  	s10 =	sld [smem:$0x3FB4];
	_ =	sdelay $0x3  }
0x36: {  	p1 =	seq.s32 s10, $0x1;
	s10 =	sld [smem:$0x3FB5];
	_ =	sdelay $0x3  }
0x37: {  	[smem:$0x3FB5] =	sst s10  }
0x38: {  	s10 =	sld [smem:$0x3FB6]  }
0x39: {  	_ = 	snop;
	(pc) =	sbr.ind lr, $3  }
0x3a: {  	_ = 	snop  }
0x3b: {  	_ = 	snop  }
0x3c: {  	p2 =	seq.s32 s10, $0x1;
	s10 =	sld [smem:$0x3FB5]  }
0x3d: {  	_ =	shalt  }
0x3e: {  	_ =	shalt  }
0x3f: {  	_ =	shalt  }
0x40: {  	_ =	shalt  }
0x41: {  	_ =	shalt  }
0x42: {  	_ =	shalt  }
0x43: {  	_ =	shalt  }
0x44: {  	_ =	shalt  }
0x45: {  	_ =	shalt  }
0x46: {  	_ =	shalt  }
0x47: {  	_ =	shalt  }
0x48: {  	_ =	shalt  }
0x49: {  	_ =	shalt  }
0x4a: {  	_ =	shalt  }
0x4b: {  	_ =	shalt  }
0x4c: {  	_ =	shalt  }
0x4d: {  	_ =	shalt  }
0x4e: {  	_ =	shalt  }
0x4f: {  	_ =	shalt  }
0x50: {  	_ =	shalt  }
0x51: {  	_ =	shalt  }
0x52: {  	_ =	shalt  }
0x53: {  	_ =	shalt  }
0x54: {  	_ =	shalt  }
0x55: {  	_ =	shalt  }
0x56: {  	_ =	shalt  }
0x57: {  	_ =	shalt  }
0x58: {  	_ =	shalt  }
0x59: {  	_ =	shalt  }
0x5a: {  	_ =	shalt  }
0x5b: {  	_ =	shalt  }
0x5c: {  	_ =	shalt  }
0x5d: {  	_ =	shalt  }
0x5e: {  	_ =	shalt  }
0x5f: {  	_ =	shalt  }
0x60: {  	_ =	shalt  }
0x61: {  	_ =	shalt  }
0x62: {  	_ =	shalt  }
0x63: {  	_ =	shalt  }
0x64: {  	_ =	shalt  }
0x65: {  	_ =	shalt  }
0x66: {  	_ =	shalt  }
0x67: {  	_ =	shalt  }
0x68: {  	_ =	shalt  }
0x69: {  	_ =	shalt  }
0x6a: {  	_ =	shalt  }
0x6b: {  	_ =	shalt  }
0x6c: {  	_ =	shalt  }
0x6d: {  	_ =	shalt  }
0x6e: {  	_ =	shalt  }
0x6f: {  	_ =	shalt  }
0x70: {  	_ =	shalt  }
0x71: {  	_ =	shalt  }
0x72: {  	_ =	shalt  }
0x73: {  	_ =	shalt  }
0x74: {  	_ =	shalt  }
0x75: {  	_ =	shalt  }
0x76: {  	_ =	shalt  }
0x77: {  	_ =	shalt  }
0x78: {  	_ =	shalt  }
0x79: {  	_ =	shalt  }
0x7a: {  	_ =	shalt  }
0x7b: {  	_ =	shalt  }
0x7c: {  	_ =	shalt  }
0x7d: {  	_ =	shalt  }
0x7e: {  	_ =	shalt  }
0x7f: {  	_ =	shalt  }
0x80: {  	_ =	shalt  }
0x81: {  	_ =	shalt  }
0x82: {  	_ =	shalt  }
0x83: {  	_ =	shalt  }
0x84: {  	_ =	shalt  }
0x85: {  	_ =	shalt  }
0x86: {  	_ =	shalt  }
0x87: {  	_ =	shalt  }
.Lfunc_end0:
.L_simem_size_0:
called_computation_lowered:
.L_overlay_start_0:
0x88: {  	s2 =	sld [smem:$0x3FD9]  }
0x89: {  	s3 =	sld [smem:$0x3FFE];
	_ =	sdelay $0x1  }
0x8a: {  	s1 =	srdreg.scid  }
0x8b: {  	s0 =	sand.u32 $0x1, s1  }
0x8c: {  	s17 =	sshll.u32 s0, $0xA;
	s2 =	sadd.s32 s3, s2  }
0x8d: {  	s2 =	sadd.s32 s2, s17  }
0x8e: {  	[smem:$0x3FC1] =	sst s2  }
0x8f: {  	_ = 	snop  }
0x90: {  	s2 =	sld [smem:$0x3FD0];
	(tm) =	ssettm $0x1  }
0x91: {  	s18 =	sld [smem:$0x3FFB];
	_ =	sdelay $0x3  }
0x92: {  	_ =	strace s18  }
0x93: {  	s3 =	sld [smem:$0x3FFC];
	_ =	sdelay $0x3  }
0x94: {  	_ =	strace s3  }
0x95: {  	s3 =	sld [smem:$0x3FFD];
	_ =	sdelay $0x3  }
0x96: {  	_ =	strace s3  }
0x97: {  	_ =	strace $0x8FFFFFFF  }
0x98: {  	s19 =	sld [smem:$0x3FDB];
	_ =	sdelay $0x1  }
0x99: {  	s4 =	simm.s32 $_scs_section_size  }
0x9a: {  	s5 =	simm.s32 $_size__tile_overlayer_lowered;
	s6 =	simm.s32 $_tile_overlayer_lowered  }
0x9b: {  	s22 =	simm.s32 $0x1BFF;
	s21 =	sshll.u32 s6, $0x1;
	s3 =	sadd.s32 s4, s19  }
0x9c: {  	s7 =	simm.s32 $0x0;
	s20 =	sshll.u32 s5, $0x1;
	s5 =	sadd.s32 s21, s3  }
0x9d: {  	[timem:s7], [sflag:s22] =	dma.local [hbm:s5], s20  }
0x9e: {  	_ =	swait.ge [sflag:s22], s20  }
0x9f: {  	s4 =	ssub.s32 $0x0, s20;
	[sflag:s22] =	ssyncset.done $0x0  }
0xa0: {  	[sflag:s22] =	ssyncadd.s32 s4;
	_ =	sdelay $0x1  }
0xa1: {  	s23 =	simm.s32 $0x1B8B  }
0xa2: {  	_ =	swait.ge [sflag:s23], $0x1  }
0xa3: {  	[sflag:s23] =	ssyncset.done $0x0  }
0xa4: {  	s25 =	simm.s32 $0x1B8E;
	s24 =	sld [smem:$0x3FFE];
	[sflag:s23] =	ssyncadd.s32 $0xFFFFFFFF  }
0xa5: {  	s26 =	simm.s32 $execute0_lowered;
	[smem:$0x3FD2] =	sst s25  }
0xa6: {  	s5 =	sshll.u32 s26, $0x1;
	_ =	strace $0x80000046;
	[dreg:$0x1] =	wrdreg $0xFFFFFFFF  }
0xa7: {  	s28 =	simm.s32 $_size_execute0_lowered;
	s3 =	sadd.s32 s3, s5;
	[dreg:$0x0] =	wrdreg $0x0  }
0xa8: {  	s5 =	sshll.u32 s28, $0x1;
	[dreg:$0x2] =	wrdreg s3  }
0xa9: {  	[dreg:$0x3] =	wrdreg s5  }
0xaa: {  	[dreg:$0x4] =	wrdreg $0xC0  }
0xab: {  	_ =	task [dreg:s7], $0x5FFFF  }
0xac: {  	[dreg:$0x1] =	wrdreg $0xFFFFFFFF  }
0xad: {  	[dreg:$0x0] =	wrdreg $0x60  }
0xae: {  	[dreg:$0x2] =	wrdreg s24  }
0xaf: {  	[dreg:$0x3] =	wrdreg s2  }
0xb0: {  	[dreg:$0x4] =	wrdreg $0xA8000  }
0xb1: {  	[dreg:$0x5] =	wrdreg $0x9  }
0xb2: {  	_ =	task.clear_ibuf [dreg:s7], $0x6FFFF;
	_ =	strace $0x90000046  }
0xb3: {  	s29 =	simm.s32 $0x9;
	_ =	strace $0x80000048  }
0xb4: {  	_ =	swait.ge [sflag:s29], $0x1  }
0xb5: {  	[sflag:s29] =	ssyncadd.s32 $0xFFFFFFFF  }
0xb6: {  	_ =	strace $0x90000048  }
0xb7: {  	_ =	sfence  }
0xb8: {  	s30 =	sld [smem:$0x0];
	_ =	sdelay $0x2  }
0xb9: {  	s31 =	sshll.u32 s1, $0xD;
	s1 =	sshrl.u32 s1, $0x2  }
0xba: {  	s3 =	sand.u32 $0x4000, s31;
	s1 =	sadd.s32 s1, s30  }
0xbb: {  	s0 =	sor.u32 s3, s0;
	s1 =	sshll.u32 s1, $0x11  }
0xbc: {  	s0 =	sor.u32 s1, s0  }
0xbd: {  	s0 =	sadd.s32 $0x8F2B, s0  }
0xbe: {  	[sflag:s0] =	ssyncadd.remote.s32 $0x1  }
0xbf: {  	_ =	sfence.sel $0xFFFF  }
0xc0: {  	[dreg:$0x0] =	wrdreg $0xFFFFFFFF;
	(pc) =	sbr.abs _section_cstart, $3  }
0xc1: {  	[dreg:$0x1] =	wrdreg $0xFFFFFFFF  }
0xc2: {  	_ =	task.clear_ibuf [dreg:s7], $0x2FFFF;
	_ =	strace $0x9FFFFFFF  }
0xc3: {  	(tm) =	ssettm $0x7FFFFFFF  }
tec
execute0_lowered:
.L_overlay_start_1:
0x0: {  	(tag) =	ssettag $0x1  }
0x1: {  	s6 =	rddreg [dreg:$0x0]  }
0x2: {  	s8 =	rddreg [dreg:$0x1]  }
0x3: {  	s1 =	rddreg [dreg:$0x2]  }
0x4: {  	s0 =	rddreg [dreg:$0x3];
	s3 =	simm.s32 $0x0  }
0x5: {  	s4 =	srdreg.scid;
	s2 =	stileid.u32;
	s16 =	simm.s32 $0x1  }
0x6: {  	s17 =	simm.s32 $0x2;
	s18 =	simm.s32 $0x80;
	s19 =	simm.s32 $0x2800  }
0x7: {  	s20 =	simm.s32 $0x6800;
	s21 =	simm.s32 $0x3;
	s22 =	simm.s32 $0x2700  }
0x8: {  	s23 =	simm.s32 $0x2780;
	s25 =	simm.s32 $0x0;
	[smem:$0x7FF] =	sst s3  }
0x9: {  	s5 =	sand.u32 $0x1, s4;
	s7 =	sshll.u32 s2, $0x1;
	s13 =	smul.u32 $0x50000, s2  }
0xa: {  	s4 =	sadd.s32 $0xB800, s6;
	s10 =	sadd.s32 $0x1800, s6;
	s24 =	smul.u32 $0x2800, s2  }
0xb: {  	p0 =	seq.s32 s2, $0xF;
	_ =	strace $0x80000047;
	s9 =	smul.u32 $0x27100, s5  }
0xc: {  	s7 =	sor.u32 s5, s7;
	s11 =	ssub.s32 $0x2, s5;
	s5 =	sadd.s32 $0x144000, s6  }
0xd: {  	s7 =	smul.u32 $0x2800, s7;
	s12 =	sshrl.u32 s11, $0x1;
	s31 =	sshrl.u32 s13, $0x2  }
0xe: {  	s13 =	sadd.s32 $0x12C000, s1;
	s14 =	sadd.s32 s9, s6;
	s11 =	ssub.s32 s11, s12  }
0xf: {  	s15 =	sadd.s32 s31, s1;
	s12 =	simm.s32 $0x1400;
	s30 =	sshrl.u32 s7, $0x3  }
0x10: {  	s13 =	sshrl.u32 @p0 s13, $0x3;
	s11 =	smax.u32 s11, $0x1;
	s9 =	sadd.s32 $0x280, s30  }
0x11: {  	s6 =	sadd.s32 s8, s30;
	s7 =	sadd.s32 s10, s30;
	s8 =	sadd.s32 s8, s9  }
0x12: {  	s9 =	sadd.s32 s10, s9;
	s10 =	sadd.s32 $0x146800, s14;
	s14 =	sshll.u32 @!p0 s2, $0x6  }
0x13: {  	s15 =	sshrl.u32 @!p0 s15, $0x3;
	s14 =	sor.u32 @!p0 $0x1C03, s14;
	s24 =	sadd.s32 @!p0 s24, s10  }
.LBB2_1:
0x14: {  	[tilespmem:s3], [sflag:$0x1] =	stream.linear.gather [hbm4b:s6+s3], $0x1400, $0x38;
	[tilespmem:$0x1F480] =	vst v63  }
0x15: {  	s26 =	simm.s32 @p0 $0x1FC3  }
0x16: {  	[tilespmem:s12], [sflag:$0x2] =	stream.linear.gather [hbm4b:s7+s3], $0x1400, $0x38;
	[tilespmem:$0x1F480] =	vst v63  }
0x17: {  	[spmem:s13], [sflag:s26] =	dma.local @p0 [hbm:s5], $0x1900  }
0x18: {  	s26 =	simm.s32 @p0 $0x3  }
0x19: {  	_ =	swait.ge @p0 [sflag:s26], $0x1900  }
0x1a: {  	[sflag:s26] =	ssyncset.done @p0 $0x0  }
0x1b: {  	[sflag:s26] =	ssyncadd.s32 @p0 $0xFFFFE700;
	s26 =	simm.s32 @!p0 $0x3  }
0x1c: {  	[spmem:s15], [sflag:s14] =	dma.local @!p0 [hbm:s5], $0x2800  }
0x1d: {  	_ =	swait.ge @!p0 [sflag:s26], $0x2800  }
0x1e: {  	[sflag:s26] =	ssyncset.done @!p0 $0x0  }
0x1f: {  	[sflag:s26] =	ssyncadd.s32 @!p0 $0xFFFFD800  }
0x20: {  	[bflag:$0x0] =	sbarrier.arrive $0xFFFF  }
0x21: {  	_ =	swait.ge [sflag:s16], $0x1400  }
0x22: {  	[sflag:s16] =	ssyncset.done $0x0  }
0x23: {  	[sflag:s16] =	ssyncadd.s32 $0xFFFFEC00  }
0x24: {  	_ =	swait.ge [sflag:s17], $0x1400  }
0x25: {  	[sflag:s17] =	ssyncset.done $0x0  }
0x26: {  	[sflag:s17] =	ssyncadd.s32 $0xFFFFEC00  }
0x27: {  	[tilespmem:s19], [sflag:$0x1] =	stream.indirect.gather [hbm4b:s4+s18], $0x80, s3, s18, $0xb8;
	[tilespmem:$0x1F480] =	vst v63  }
0x28: {  	_ = 	snop  }
0x29: {  	[tilespmem:s20], [sflag:$0x2] =	stream.indirect.gather [hbm4b:s4+s18], $0x80, s18, s18, $0xb8;
	[tilespmem:$0x1F480] =	vst v63  }
0x2a: {  	_ =	swait.ge [sflag:s16], $0x4000  }
0x2b: {  	[sflag:s16] =	ssyncset.done $0x0  }
0x2c: {  	s29 =	simm.s32 $0x1400;
	[sflag:s16] =	ssyncadd.s32 $0xFFFFC000  }
0x2d: {  	[spmem:s1] =	stream.indirect.scatter.add.f32 [tilespmem:s19], [sflag:$0x3], $0x80, s29, s18, $0xb8;
	[tilespmem:$0x1F480] =	vst v63  }
0x2e: {  	_ =	swait.ge [sflag:s21], $0x4000  }
0x2f: {  	[sflag:s21] =	ssyncset.done $0x0  }
0x30: {  	s30 =	simm.s32 $0x100;
	[sflag:s21] =	ssyncadd.s32 $0xFFFFC000  }
0x31: {  	[tilespmem:s19], [sflag:$0x1] =	stream.indirect.gather [hbm4b:s4+s18], $0x80, s30, s18, $0xb8;
	[tilespmem:$0x1F480] =	vst v63  }
0x32: {  	_ =	swait.ge [sflag:s17], $0x4000  }
0x33: {  	[sflag:s17] =	ssyncset.done $0x0  }
0x34: {  	s31 =	simm.s32 $0x1480;
	[sflag:s17] =	ssyncadd.s32 $0xFFFFC000  }
0x35: {  	[spmem:s1] =	stream.indirect.scatter.add.f32 [tilespmem:s20], [sflag:$0x3], $0x80, s31, s18, $0xb8;
	[tilespmem:$0x1F480] =	vst v63  }
0x36: {  	_ =	swait.ge [sflag:s21], $0x4000  }
0x37: {  	[sflag:s21] =	ssyncset.done $0x0  }
0x38: {  	s28 =	simm.s32 $0x180;
	s26 =	simm.s32 $0x400;
	[sflag:s21] =	ssyncadd.s32 $0xFFFFC000  }
.LBB2_2:
0x39: {  	[tilespmem:s20], [sflag:$0x2] =	stream.indirect.gather [hbm4b:s4+s18], $0x80, s28, s18, $0xb8;
	[tilespmem:$0x1F480] =	vst v63  }
0x3a: {  	s28 =	smov.u32 s26  }
0x3b: {  	p1 =	sne.s32 s26, $0x4800;
	s26 =	sadd.s32 $0x400, s26;
	_ =	swait.ge [sflag:s16], $0x4000  }
0x3c: {  	s28 =	sshra.s32 s28, $0x2;
	[sflag:s16] =	ssyncset.done $0x0  }
0x3d: {  	s29 =	sadd.s32 $0x1400, s28;
	[sflag:s16] =	ssyncadd.s32 $0xFFFFC000  }
0x3e: {  	[spmem:s1] =	stream.indirect.scatter.add.f32 [tilespmem:s19], [sflag:$0x3], $0x80, s29, s18, $0xb8;
	[tilespmem:$0x1F480] =	vst v63  }
0x3f: {  	_ =	swait.ge [sflag:s21], $0x4000  }
0x40: {  	[sflag:s21] =	ssyncset.done $0x0  }
0x41: {  	s29 =	sadd.s32 $0x100, s28;
	[sflag:s21] =	ssyncadd.s32 $0xFFFFC000  }
0x42: {  	[tilespmem:s19], [sflag:$0x1] =	stream.indirect.gather [hbm4b:s4+s18], $0x80, s29, s18, $0xb8;
	[tilespmem:$0x1F480] =	vst v63  }
0x43: {  	_ =	swait.ge [sflag:s17], $0x4000  }
0x44: {  	[sflag:s17] =	ssyncset.done $0x0  }
.Ltmp0:
0x45: {  	s29 =	sadd.s32 $0x1480, s28;
	[sflag:s17] =	ssyncadd.s32 $0xFFFFC000;
	(pc) =	sbr.rel @p1 .LBB2_2-.Ltmp0, $4  }
0x46: {  	[spmem:s1] =	stream.indirect.scatter.add.f32 [tilespmem:s20], [sflag:$0x3], $0x80, s29, s18, $0xb8;
	[tilespmem:$0x1F480] =	vst v63  }
0x47: {  	_ =	swait.ge [sflag:s21], $0x4000  }
0x48: {  	[sflag:s21] =	ssyncset.done $0x0  }
0x49: {  	s28 =	sadd.s32 $0x180, s28;
	[sflag:s21] =	ssyncadd.s32 $0xFFFFC000  }
0x4a: {  	[tilespmem:s20], [sflag:$0x2] =	stream.indirect.gather [hbm4b:s4+s18], $0x80, s28, s18, $0xb8;
	[tilespmem:$0x1F480] =	vst v63  }
0x4b: {  	_ =	swait.ge [sflag:s16], $0x4000  }
0x4c: {  	[sflag:s16] =	ssyncset.done $0x0  }
0x4d: {  	[sflag:s16] =	ssyncadd.s32 $0xFFFFC000  }
0x4e: {  	[spmem:s1] =	stream.indirect.scatter.add.f32 [tilespmem:s19], [sflag:$0x3], $0x80, s22, s18, $0xb8;
	[tilespmem:$0x1F480] =	vst v63  }
0x4f: {  	_ =	swait.ge [sflag:s21], $0x4000  }
0x50: {  	[sflag:s21] =	ssyncset.done $0x0  }
0x51: {  	[sflag:s21] =	ssyncadd.s32 $0xFFFFC000  }
0x52: {  	_ =	swait.ge [sflag:s17], $0x4000  }
0x53: {  	[sflag:s17] =	ssyncset.done $0x0  }
0x54: {  	[sflag:s17] =	ssyncadd.s32 $0xFFFFC000  }
0x55: {  	[spmem:s1] =	stream.indirect.scatter.add.f32 [tilespmem:s20], [sflag:$0x3], $0x80, s23, s18, $0xb8;
	[tilespmem:$0x1F480] =	vst v63  }
0x56: {  	_ =	swait.ge [sflag:s21], $0x4000  }
0x57: {  	[sflag:s21] =	ssyncset.done $0x0  }
0x58: {  	s26 =	simm.s32 $0x0;
	[sflag:s21] =	ssyncadd.s32 $0xFFFFC000  }
0x59: {  	[tilespmem:s26], [sflag:$0x3] =	stream.linear.gather [hbm4b:s8+s26], $0x1400, $0x38;
	[tilespmem:$0x1F480] =	vst v63  }
0x5a: {  	_ =	swait.ge [sflag:s21], $0x1400  }
0x5b: {  	[sflag:s21] =	ssyncset.done $0x0  }
0x5c: {  	[sflag:s21] =	ssyncadd.s32 $0xFFFFEC00  }
0x5d: {  	[tilespmem:s12], [sflag:$0x3] =	stream.linear.gather [hbm4b:s9+s26], $0x1400, $0x38;
	[tilespmem:$0x1F480] =	vst v63  }
0x5e: {  	_ =	swait.ge [sflag:s21], $0x1400  }
0x5f: {  	[sflag:s21] =	ssyncset.done $0x0  }
0x60: {  	[sflag:s21] =	ssyncadd.s32 $0xFFFFEC00  }
0x61: {  	[tilespmem:s19], [sflag:$0x1] =	stream.indirect.gather [hbm4b:s4+s18], $0x80, s26, s18, $0xb8;
	[tilespmem:$0x1F480] =	vst v63  }
0x62: {  	_ = 	snop  }
0x63: {  	[tilespmem:s20], [sflag:$0x2] =	stream.indirect.gather [hbm4b:s4+s18], $0x80, s18, s18, $0xb8;
	[tilespmem:$0x1F480] =	vst v63  }
0x64: {  	_ =	swait.ge [sflag:s16], $0x4000  }
0x65: {  	[sflag:s16] =	ssyncset.done $0x0  }
0x66: {  	s29 =	simm.s32 $0x1400;
	[sflag:s16] =	ssyncadd.s32 $0xFFFFC000  }
0x67: {  	[spmem:s1] =	stream.indirect.scatter.add.f32 [tilespmem:s19], [sflag:$0x3], $0x80, s29, s18, $0xb8;
	[tilespmem:$0x1F480] =	vst v63  }
0x68: {  	_ =	swait.ge [sflag:s21], $0x4000  }
0x69: {  	[sflag:s21] =	ssyncset.done $0x0  }
0x6a: {  	s30 =	simm.s32 $0x100;
	[sflag:s21] =	ssyncadd.s32 $0xFFFFC000  }
0x6b: {  	[tilespmem:s19], [sflag:$0x1] =	stream.indirect.gather [hbm4b:s4+s18], $0x80, s30, s18, $0xb8;
	[tilespmem:$0x1F480] =	vst v63  }
0x6c: {  	_ =	swait.ge [sflag:s17], $0x4000  }
0x6d: {  	[sflag:s17] =	ssyncset.done $0x0  }
0x6e: {  	s31 =	simm.s32 $0x1480;
	[sflag:s17] =	ssyncadd.s32 $0xFFFFC000  }
0x6f: {  	[spmem:s1] =	stream.indirect.scatter.add.f32 [tilespmem:s20], [sflag:$0x3], $0x80, s31, s18, $0xb8;
	[tilespmem:$0x1F480] =	vst v63  }
0x70: {  	_ =	swait.ge [sflag:s21], $0x4000  }
0x71: {  	[sflag:s21] =	ssyncset.done $0x0  }
0x72: {  	s28 =	simm.s32 $0x180;
	s26 =	simm.s32 $0x400;
	[sflag:s21] =	ssyncadd.s32 $0xFFFFC000  }
.LBB2_4:
0x73: {  	[tilespmem:s20], [sflag:$0x2] =	stream.indirect.gather [hbm4b:s4+s18], $0x80, s28, s18, $0xb8;
	[tilespmem:$0x1F480] =	vst v63  }
0x74: {  	s28 =	smov.u32 s26  }
0x75: {  	p1 =	sne.s32 s26, $0x4800;
	s26 =	sadd.s32 $0x400, s26;
	_ =	swait.ge [sflag:s16], $0x4000  }
0x76: {  	s28 =	sshra.s32 s28, $0x2;
	[sflag:s16] =	ssyncset.done $0x0  }
0x77: {  	s29 =	sadd.s32 $0x1400, s28;
	[sflag:s16] =	ssyncadd.s32 $0xFFFFC000  }
0x78: {  	[spmem:s1] =	stream.indirect.scatter.add.f32 [tilespmem:s19], [sflag:$0x3], $0x80, s29, s18, $0xb8;
	[tilespmem:$0x1F480] =	vst v63  }
0x79: {  	_ =	swait.ge [sflag:s21], $0x4000  }
0x7a: {  	[sflag:s21] =	ssyncset.done $0x0  }
0x7b: {  	s29 =	sadd.s32 $0x100, s28;
	[sflag:s21] =	ssyncadd.s32 $0xFFFFC000  }
0x7c: {  	[tilespmem:s19], [sflag:$0x1] =	stream.indirect.gather [hbm4b:s4+s18], $0x80, s29, s18, $0xb8;
	[tilespmem:$0x1F480] =	vst v63  }
0x7d: {  	_ =	swait.ge [sflag:s17], $0x4000  }
0x7e: {  	[sflag:s17] =	ssyncset.done $0x0  }
.Ltmp1:
0x7f: {  	s29 =	sadd.s32 $0x1480, s28;
	[sflag:s17] =	ssyncadd.s32 $0xFFFFC000;
	(pc) =	sbr.rel @p1 .LBB2_4-.Ltmp1, $4  }
0x80: {  	[spmem:s1] =	stream.indirect.scatter.add.f32 [tilespmem:s20], [sflag:$0x3], $0x80, s29, s18, $0xb8;
	[tilespmem:$0x1F480] =	vst v63  }
0x81: {  	_ =	swait.ge [sflag:s21], $0x4000  }
0x82: {  	[sflag:s21] =	ssyncset.done $0x0  }
0x83: {  	s28 =	sadd.s32 $0x180, s28;
	[sflag:s21] =	ssyncadd.s32 $0xFFFFC000  }
0x84: {  	[tilespmem:s20], [sflag:$0x2] =	stream.indirect.gather [hbm4b:s4+s18], $0x80, s28, s18, $0xb8;
	[tilespmem:$0x1F480] =	vst v63  }
0x85: {  	_ =	swait.ge [sflag:s16], $0x4000  }
0x86: {  	[sflag:s16] =	ssyncset.done $0x0  }
0x87: {  	[sflag:s16] =	ssyncadd.s32 $0xFFFFC000  }
0x88: {  	[spmem:s1] =	stream.indirect.scatter.add.f32 [tilespmem:s19], [sflag:$0x3], $0x80, s22, s18, $0xb8;
	[tilespmem:$0x1F480] =	vst v63  }
0x89: {  	_ =	swait.ge [sflag:s21], $0x4000  }
0x8a: {  	[sflag:s21] =	ssyncset.done $0x0  }
0x8b: {  	[sflag:s21] =	ssyncadd.s32 $0xFFFFC000  }
0x8c: {  	_ =	swait.ge [sflag:s17], $0x4000  }
0x8d: {  	[sflag:s17] =	ssyncset.done $0x0  }
0x8e: {  	[sflag:s17] =	ssyncadd.s32 $0xFFFFC000  }
0x8f: {  	[spmem:s1] =	stream.indirect.scatter.add.f32 [tilespmem:s20], [sflag:$0x3], $0x80, s23, s18, $0xb8;
	[tilespmem:$0x1F480] =	vst v63  }
0x90: {  	_ =	swait.ge [sflag:s21], $0x4000  }
0x91: {  	[sflag:s21] =	ssyncset.done $0x0  }
0x92: {  	[sflag:s21] =	ssyncadd.s32 $0xFFFFC000  }
0x93: {  	s26 =	sadd.s32 @p0 $0x25800, s10;
	s28 =	simm.s32 @p0 $0x1FC3;
	[bflag:$0x0] =	sbarrier.arrive $0xFFFF  }
0x94: {  	[hbm:s26], [sflag:s28] =	dma.local @p0 [spmem:s13], $0x1900  }
0x95: {  	s26 =	simm.s32 @p0 $0x3  }
0x96: {  	s25 =	sadd.s32 $0x1, s25;
	_ =	swait.ge @p0 [sflag:s26], $0x1900  }
0x97: {  	p1 =	sne.s32 s25, s11;
	[sflag:s26] =	ssyncset.done @p0 $0x0  }
.Ltmp2:
0x98: {  	[sflag:s26] =	ssyncadd.s32 @p0 $0xFFFFE700;
	s26 =	simm.s32 @!p0 $0x3;
	(pc) =	sbr.rel @p1 .LBB2_1-.Ltmp2, $4  }
0x99: {  	[hbm:s24], [sflag:s14] =	dma.local @!p0 [spmem:s15], $0x2800  }
0x9a: {  	_ =	swait.ge @!p0 [sflag:s26], $0x2800  }
0x9b: {  	[sflag:s26] =	ssyncset.done @!p0 $0x0  }
0x9c: {  	[sflag:s26] =	ssyncadd.s32 @!p0 $0xFFFFD800  }
0x9d: {  	_ =	sfence.sel $0x180000  }
0x9e: {  	[bflag:$0x0] =	sbarrier.arrive $0xFFFF  }
0x9f: {  	p0 =	sne.s32 s2, $0x0;
	_ =	strace $0x90000047  }
0xa0: {  	s0 =	sadd.s32 @!p0 $0x100000, s0;
	[bflag:$0x2] =	sbarrier.arrive $0xFFFF  }
0xa1: {  	[sflag:s0] =	ssyncadd.tile.s32 @!p0 $0x1;
	_ =	shalt  }
.Lfunc_end2:
_tile_overlayer_lowered:
.L_overlay_start_2:
0xa2: {  	(tag) =	ssettag $0x2  }
0xa3: {  	s0 =	rddreg [dreg:$0x0];
	s2 =	stileid.u32  }
0xa4: {  	s1 =	rddreg [dreg:$0x1];
	p0 =	sne.s32 s2, $0x0  }
0xa5: {  	s3 =	rddreg [dreg:$0x2];
	[bflag:$0x3] =	sbarrier.arrive $0xFFFF;
	s2 =	simm.s32 @!p0 $0x1C03  }
0xa6: {  	[timem:s3], [sflag:s2] =	dma.local @!p0 [hbm:s0], s1  }
0xa7: {  	s0 =	simm.s32 @!p0 $0x3  }
0xa8: {  	_ =	swait.ge @!p0 [sflag:s0], s1  }
0xa9: {  	s1 =	ssub.s32 @!p0 $0x0, s1;
	[sflag:s0] =	ssyncset.done @!p0 $0x0  }
0xaa: {  	[sflag:s0] =	ssyncadd.s32 @!p0 s1  }
0xab: {  	[bflag:$0x3] =	sbarrier.arrive $0xFFFF  }
0xac: {  	_ =	shalt  }

</sc_bundles>
